<compile_context>
chip_gen: v7x
topology: tpu7x:2x2x1
jax: 0.10.2.dev20260603
libtpu: 0.0.44.dev20260713+nightly
codegen_flags: <defaults>
</compile_context>

<pallas_src>
import functools

import jax
import jax.numpy as jnp
from jax import lax
from jax.experimental import pallas as pl
from jax.experimental.pallas import tpu as pltpu
from jax.experimental.pallas import tpu_sc as plsc

N = 10000
E = 320000
F = 128
H = 256
G = 64
A = 32

NC = 2
NS = 16
NP = 10240
RPT = NP // NS
T16 = 160
T32 = T16 // 2
EROWS = T16 * NS
EP = EROWS * 128

_mesh = plsc.VectorSubcoreMesh(core_axis_name="c", subcore_axis_name="s",
                               num_cores=NC, num_subcores=NS)



_DRT = 8 * NP // NS


@functools.partial(
    pl.kernel,
    out_type=jax.ShapeDtypeStruct((NC * 8 * NP, ), jnp.float32),
    mesh=_mesh,
    scratch_types=[
        pltpu.VMEM((T32, 128), jnp.int32),
        pltpu.VMEM((128, ), jnp.float32),
        pltpu.VMEM_SHARED((8 * NP, ), jnp.float32),
        pltpu.SemaphoreType.DMA,
    ],
)
def _deg_kernel(dst8_hbm, zeros_hbm, ones_hbm, out_hbm, idx_v, ones_v, acc,
                dsem):
    cid = lax.axis_index("c")
    sid = lax.axis_index("s")
    wid = cid * NS + sid
    pltpu.sync_copy(zeros_hbm.at[pl.ds(sid * _DRT, _DRT)],
                    acc.at[pl.ds(sid * _DRT, _DRT)])
    pltpu.sync_copy(ones_hbm, ones_v)
    pltpu.sync_copy(dst8_hbm.at[pl.ds(wid * T32, T32)], idx_v)
    plsc.subcore_barrier()

    def body(q, carry):
        base = q * 4
        descs = [
            pltpu.async_copy(ones_v, acc.at[idx_v.at[base + k]], dsem,
                             add=True)
            for k in range(4)
        ]
        for d in descs:
            d.wait()
        return carry

    lax.fori_loop(0, T32 // 4, body, 0)
    plsc.subcore_barrier()
    pltpu.sync_copy(acc.at[pl.ds(sid * _DRT, _DRT)],
                    out_hbm.at[pl.ds(cid * 8 * NP + sid * _DRT, _DRT)])


def _edge_pipeline(tab_hbm, src_hbm, dst_hbm, acc, src_v, dst_v, rows_a,
                   rows_b, gsa, gsb, ssa, ssb, src_base, dst_base, nblk,
                   blk_rows):
    npair = blk_rows // 2

    def outer(blk, carry):
        pltpu.sync_copy(
            src_hbm.at[pl.ds(src_base + blk * blk_rows, blk_rows)], src_v)
        pltpu.sync_copy(
            dst_hbm.at[pl.ds(dst_base + blk * blk_rows, blk_rows)], dst_v)
        pltpu.async_copy(tab_hbm.at[src_v.at[0]], rows_a, gsa)

        def pair(t, c2):
            j0 = 2 * t
            j1 = j0 + 1
            pltpu.async_copy(tab_hbm.at[src_v.at[j1]], rows_b, gsb)
            pltpu.make_async_copy(tab_hbm.at[src_v.at[j0]], rows_a,
                                  gsa).wait()
            sa = pltpu.async_copy(rows_a, acc.at[dst_v.at[j0]], ssa,
                                  add=True)
            sa.wait()

            @pl.when(t < npair - 1)
            def _():
                pltpu.async_copy(tab_hbm.at[src_v.at[j0 + 2]], rows_a, gsa)

            pltpu.make_async_copy(tab_hbm.at[src_v.at[j1]], rows_b,
                                  gsb).wait()
            sb = pltpu.async_copy(rows_b, acc.at[dst_v.at[j1]], ssb,
                                  add=True)
            sb.wait()
            return c2

        return lax.fori_loop(0, npair, pair, carry)

    lax.fori_loop(0, nblk, outer, 0)


@functools.partial(
    pl.kernel,
    out_type=jax.ShapeDtypeStruct((NC * NP, 128), jnp.float32),
    mesh=_mesh,
    scratch_types=[
        pltpu.VMEM((40, 128), jnp.int32),
        pltpu.VMEM((40, 128), jnp.int32),
        pltpu.VMEM((128, 128), jnp.float32),
        pltpu.VMEM((128, 128), jnp.float32),
        pltpu.VMEM_SHARED((NP, 128), jnp.float32),
        pltpu.SemaphoreType.DMA,
        pltpu.SemaphoreType.DMA,
        pltpu.SemaphoreType.DMA,
        pltpu.SemaphoreType.DMA,
    ],
)
def _prop1(xs_hbm, src_hbm, dst_hbm, out_hbm, src_v, dst_v,
           rows_a, rows_b, acc, gsa, gsb, ssa, ssb):
    cid = lax.axis_index("c")
    sid = lax.axis_index("s")
    wid = cid * NS + sid
    pltpu.sync_copy(xs_hbm.at[pl.ds(sid * RPT, RPT)],
                    acc.at[pl.ds(sid * RPT, RPT)])
    plsc.subcore_barrier()
    _edge_pipeline(xs_hbm, src_hbm, dst_hbm, acc, src_v, dst_v, rows_a,
                   rows_b, gsa, gsb, ssa, ssb,
                   src_base=wid * T32, dst_base=wid * T32, nblk=2,
                   blk_rows=40)
    plsc.subcore_barrier()
    pltpu.sync_copy(acc.at[pl.ds(sid * RPT, RPT)],
                    out_hbm.at[pl.ds(cid * NP + sid * RPT, RPT)])


_URT = 64 * NP // NS
_UZT = 65 * NP // NS
_NPS = NP // NS


@functools.partial(
    pl.kernel,
    out_type=jax.ShapeDtypeStruct((NC * 64 * NP, ), jnp.float32),
    mesh=_mesh,
    scratch_types=[
        pltpu.VMEM((T32, 128), jnp.int32),
        pltpu.VMEM((T32, 128), jnp.int32),
        pltpu.VMEM((128, ), jnp.int32),
        pltpu.VMEM((128, ), jnp.float32),
        pltpu.VMEM((128, ), jnp.int32),
        pltpu.VMEM((128, ), jnp.int32),
        pltpu.VMEM((128, ), jnp.float32),
        pltpu.VMEM((128, ), jnp.int32),
        pltpu.VMEM_SHARED((65 * NP, ), jnp.float32),
        pltpu.VMEM_SHARED((NP, ), jnp.int32),
        pltpu.VMEM_SHARED((NP, ), jnp.float32),
        pltpu.SemaphoreType.DMA,
        pltpu.SemaphoreType.DMA,
        pltpu.SemaphoreType.DMA,
        pltpu.SemaphoreType.DMA,
        pltpu.SemaphoreType.DMA,
        pltpu.SemaphoreType.DMA,
    ],
)
def _upass(key_hbm, dis_hbm, zeros_hbm, src_hbm, dst_hbm, out_hbm,
           dst_v, src_v, krow_a, vrow_a, flat_a, krow_b, vrow_b, flat_b,
           acc, key_sp, dis_sp, gka, gva, gkb, gvb, sca, scb):
    cid = lax.axis_index("c")
    sid = lax.axis_index("s")
    wid = cid * NS + sid
    pltpu.sync_copy(zeros_hbm.at[pl.ds(sid * _UZT, _UZT)],
                    acc.at[pl.ds(sid * _UZT, _UZT)])
    pltpu.sync_copy(key_hbm.at[pl.ds(sid * _NPS, _NPS)],
                    key_sp.at[pl.ds(sid * _NPS, _NPS)])
    pltpu.sync_copy(dis_hbm.at[pl.ds(sid * _NPS, _NPS)],
                    dis_sp.at[pl.ds(sid * _NPS, _NPS)])
    pltpu.sync_copy(dst_hbm.at[pl.ds(wid * T32, T32)], dst_v)
    pltpu.sync_copy(src_hbm.at[pl.ds(wid * T32, T32)], src_v)
    plsc.subcore_barrier()

    def _half(j, krow, vrow, flat_v, gk, gv, sc):
        pltpu.make_async_copy(key_sp.at[dst_v.at[j]], krow, gk).wait()
        pltpu.make_async_copy(dis_sp.at[dst_v.at[j]], vrow, gv).wait()
        for k in range(8):
            sl = pl.ds(k * 16, 16)
            flat_v[sl] = krow[sl] + src_v[j, sl]
        pltpu.async_copy(vrow, acc.at[flat_v], sc, add=True).wait()

    pltpu.async_copy(key_sp.at[dst_v.at[0]], krow_a, gka)
    pltpu.async_copy(dis_sp.at[dst_v.at[0]], vrow_a, gva)

    def pair(t, carry):
        j0 = 2 * t
        j1 = j0 + 1
        pltpu.async_copy(key_sp.at[dst_v.at[j1]], krow_b, gkb)
        pltpu.async_copy(dis_sp.at[dst_v.at[j1]], vrow_b, gvb)
        _half(j0, krow_a, vrow_a, flat_a, gka, gva, sca)

        @pl.when(t < T32 // 2 - 1)
        def _():
            pltpu.async_copy(key_sp.at[dst_v.at[j0 + 2]], krow_a, gka)
            pltpu.async_copy(dis_sp.at[dst_v.at[j0 + 2]], vrow_a, gva)

        _half(j1, krow_b, vrow_b, flat_b, gkb, gvb, scb)
        return carry

    lax.fori_loop(0, T32 // 2, pair, 0)
    plsc.subcore_barrier()
    pltpu.sync_copy(acc.at[pl.ds(sid * _URT, _URT)],
                    out_hbm.at[pl.ds(cid * 64 * NP + sid * _URT, _URT)])



_NB = 8
_BR = NP // _NB


def _prep1_body(x_ref, dega_ref, degb_ref, xs_ref, dis_ref):
    deg = dega_ref[0][:, :1] + degb_ref[0][:, :1] + 1.0
    dis = lax.rsqrt(deg)
    xs_ref[...] = x_ref[...] * dis
    dis_ref[...] = jnp.broadcast_to(dis, (_BR, 8))


def _prep1(x_pad, degs3):
    return pl.pallas_call(
        _prep1_body,
        grid=(_NB,),
        in_specs=[
            pl.BlockSpec((_BR, F), lambda i: (i, 0)),
            pl.BlockSpec((1, _BR, 8), lambda i: (0, i, 0)),
            pl.BlockSpec((1, _BR, 8), lambda i: (1, i, 0)),
        ],
        out_specs=[
            pl.BlockSpec((_BR, F), lambda i: (i, 0)),
            pl.BlockSpec((_BR, 8), lambda i: (i, 0)),
        ],
        out_shape=[
            jax.ShapeDtypeStruct((NP, F), jnp.float32),
            jax.ShapeDtypeStruct((NP, 8), jnp.float32),
        ],
    )(x_pad, degs3, degs3)


def _final_body(a_ref, b_ref, xs_ref, dis_ref, w1_ref, b1_ref,
                u0_ref, u1_ref, bt_ref, w2_ref, b2_ref, q1w_ref, q1b_ref,
                q2w_ref, q2b_ref, i1w_ref, i1b_ref, i2w_ref, i2b_ref,
                psum_ref, cnt_ref, q_ref, lsm_ref, i_ref):
    i = pl.program_id(0)

    @pl.when(i == 0)
    def _():
        psum_ref[...] = jnp.zeros_like(psum_ref)
        cnt_ref[...] = jnp.zeros_like(cnt_ref)

    dis = dis_ref[:, :1]
    y = (a_ref[...] + b_ref[...] - xs_ref[...]) * dis
    h = jnp.dot(y, w1_ref[...], preferred_element_type=jnp.float32)
    h = jnp.maximum(h + b1_ref[...], 0.0) * dis
    bt = bt_ref[...]
    gi = lax.broadcasted_iota(jnp.int32, (G, _BR), 0)
    m = (bt == gi).astype(jnp.float32)
    u = u0_ref[0] + u1_ref[0]
    psum_ref[...] += (
        jnp.dot(u, h, preferred_element_type=jnp.float32)
        + jnp.dot(m, h * dis, preferred_element_type=jnp.float32))
    cnt_ref[...] += jnp.broadcast_to(jnp.sum(m, axis=1, keepdims=True),
                                     (G, 128))

    @pl.when(i == _NB - 1)
    def _():
        cntc = jnp.maximum(cnt_ref[:, :1], 1.0)
        pooled = jnp.dot(psum_ref[...] / cntc, w2_ref[...],
                         preferred_element_type=jnp.float32) + b2_ref[...]
        qh = jnp.maximum(
            jnp.dot(pooled, q1w_ref[...], preferred_element_type=jnp.float32)
            + q1b_ref[...], 0.0)
        q_ref[...] = jnp.dot(qh, q2w_ref[...],
                             preferred_element_type=jnp.float32) + q2b_ref[...]
        ih = jnp.maximum(
            jnp.dot(pooled, i1w_ref[...], preferred_element_type=jnp.float32)
            + i1b_ref[...], 0.0)
        ii = jnp.dot(ih, i2w_ref[...],
                     preferred_element_type=jnp.float32) + i2b_ref[...]
        mx = jnp.max(ii, axis=1, keepdims=True)
        lse = jnp.log(jnp.sum(jnp.exp(ii - mx), axis=1, keepdims=True)) + mx
        lsm_ref[...] = ii - lse
        i_ref[...] = ii


def _final(acc1, xs1, dis8, W1, b1, u3, batch2d, W2, b2,
           q1W, q1b, q2W, q2b, i1W, i1b, i2W, i2b):
    full = lambda shp: pl.BlockSpec(shp, lambda i: tuple(0 for _ in shp))
    return pl.pallas_call(
        _final_body,
        grid=(_NB,),
        in_specs=[
            pl.BlockSpec((_BR, 128), lambda i: (i, 0)),
            pl.BlockSpec((_BR, 128), lambda i: (i + _NB, 0)),
            pl.BlockSpec((_BR, F), lambda i: (i, 0)),
            pl.BlockSpec((_BR, 8), lambda i: (i, 0)),
            full((F, H)),
            full((1, H)),
            pl.BlockSpec((1, G, _BR), lambda i: (0, 0, i)),
            pl.BlockSpec((1, G, _BR), lambda i: (1, 0, i)),
            pl.BlockSpec((1, _BR), lambda i: (0, i)),
            full((H, H)),
            full((1, H)),
            full((H, 64)),
            full((1, 64)),
            full((64, A)),
            full((1, A)),
            full((H, 64)),
            full((1, 64)),
            full((64, A)),
            full((1, A)),
        ],
        out_specs=[
            full((G, H)),
            full((G, 128)),
            full((G, A)),
            full((G, A)),
            full((G, A)),
        ],
        out_shape=[
            jax.ShapeDtypeStruct((G, H), jnp.float32),
            jax.ShapeDtypeStruct((G, 128), jnp.float32),
            jax.ShapeDtypeStruct((G, A), jnp.float32),
            jax.ShapeDtypeStruct((G, A), jnp.float32),
            jax.ShapeDtypeStruct((G, A), jnp.float32),
        ],
    )(acc1, acc1, xs1, dis8, W1, b1, u3, u3, batch2d, W2, b2,
      q1W, q1b, q2W, q2b, i1W, i1b, i2W, i2b)



def kernel(x, edge_index, batch, W1, b1, W2, b2, q1W, q1b, q2W, q2b,
           i1W, i1b, i2W, i2b):
    f32 = jnp.float32
    src = edge_index[0]
    dst = edge_index[1]
    pad = EP - E
    padi = jnp.arange(pad, dtype=jnp.int32)
    pad_rows = N + (padi % (NP - N))
    src2d = jnp.concatenate([src, pad_rows]).reshape(EROWS, 128)
    dst2d = jnp.concatenate([dst, pad_rows]).reshape(EROWS, 128)

    degs = _deg_kernel(dst2d * 8, jnp.zeros((8 * NP, ), f32),
                       jnp.ones((128, ), f32))

    x_pad = jnp.pad(x, ((0, NP - N), (0, 0)))
    xs1, dis8 = _prep1(x_pad, degs.reshape(NC, NP, 8))
    acc1 = _prop1(xs1, src2d, dst2d)

    batch_pad = jnp.pad(batch, (0, NP - N), constant_values=G)
    u = _upass(batch_pad * NP, dis8[:, 0], jnp.zeros((65 * NP, ), f32),
               src2d, dst2d)
    _, _, q, lsm, ii = _final(
        acc1, xs1, dis8, W1, b1.reshape(1, H), u.reshape(NC, G, NP),
        batch_pad.reshape(1, NP), W2, b2.reshape(1, H),
        q1W, q1b.reshape(1, 64), q2W, q2b.reshape(1, A),
        i1W, i1b.reshape(1, 64), i2W, i2b.reshape(1, A))
    return (q, lsm, ii)

# --- scband reference (transcript-rebuilt; emitter-appended) ---
"""Pipeline reference for scband-gcn-q-67095979098588 (READ-ONLY COPY).

The authoritative reference and input builder live on the scoring server;
editing this copy changes nothing except your own understanding.
"""

import jax, jax.numpy as jnp
import numpy as np

N = 10000
E = 320000
F_IN = 128
H = 256
A = 32
G = 64


def gcn_conv(x, edge_index, W, b):
    # PyG GCNConv: add self-loops, symmetric normalization D^-1/2 A_hat D^-1/2 X W + b
    num_nodes = x.shape[0]
    loop = jnp.arange(num_nodes, dtype=edge_index.dtype)
    src = jnp.concatenate([edge_index[0], loop])
    dst = jnp.concatenate([edge_index[1], loop])
    deg = jnp.zeros((num_nodes,), dtype=x.dtype).at[dst].add(1.0)
    deg_inv_sqrt = jnp.where(deg > 0, 1.0 / jnp.sqrt(deg), 0.0)
    norm = deg_inv_sqrt[src] * deg_inv_sqrt[dst]
    xw = x @ W
    msg = xw[src] * norm[:, None]
    out = jnp.zeros((num_nodes, W.shape[1]), dtype=x.dtype).at[dst].add(msg)
    return out + b


def global_mean_pool(x, batch, num_graphs):
    sums = jax.ops.segment_sum(x, batch, num_segments=num_graphs)
    counts = jax.ops.segment_sum(jnp.ones((x.shape[0],), dtype=x.dtype), batch, num_segments=num_graphs)
    return sums / jnp.clip(counts, 1.0)[:, None]


def setup_inputs(seed: int = 0):
    key = jax.random.key(seed)
    ks = jax.random.split(key, 16)
    x = jax.random.normal(ks[0], (N, F_IN), dtype=jnp.float32)
    edge_index = jax.random.randint(ks[1], (2, E), 0, N, dtype=jnp.int32)
    batch = jnp.sort(jax.random.randint(ks[2], (N,), 0, G, dtype=jnp.int32))
    W1 = jax.random.normal(ks[3], (F_IN, H), dtype=jnp.float32) * 0.05
    b1 = jnp.zeros((H,), dtype=jnp.float32)
    W2 = jax.random.normal(ks[4], (H, H), dtype=jnp.float32) * 0.05
    b2 = jnp.zeros((H,), dtype=jnp.float32)
    q1W = jax.random.normal(ks[5], (H, 64), dtype=jnp.float32) * 0.05
    q1b = jnp.zeros((64,), dtype=jnp.float32)
    q2W = jax.random.normal(ks[6], (64, A), dtype=jnp.float32) * 0.05
    q2b = jnp.zeros((A,), dtype=jnp.float32)
    i1W = jax.random.normal(ks[7], (H, 64), dtype=jnp.float32) * 0.05
    i1b = jnp.zeros((64,), dtype=jnp.float32)
    i2W = jax.random.normal(ks[8], (64, A), dtype=jnp.float32) * 0.05
    i2b = jnp.zeros((A,), dtype=jnp.float32)
    return {"x": x, "edge_index": edge_index, "batch": batch,
            "W1": W1, "b1": b1, "W2": W2, "b2": b2,
            "q1W": q1W, "q1b": q1b, "q2W": q2W, "q2b": q2b,
            "i1W": i1W, "i1b": i1b, "i2W": i2W, "i2b": i2b}


def reference(x, edge_index, batch, W1, b1, W2, b2, q1W, q1b, q2W, q2b, i1W, i1b, i2W, i2b):
    h = jax.nn.relu(gcn_conv(x, edge_index, W1, b1))
    # dropout is identity in eval mode
    h = gcn_conv(h, edge_index, W2, b2)
    pooled = global_mean_pool(h, batch, G)
    q = jax.nn.relu(pooled @ q1W + q1b) @ q2W + q2b
    i = jax.nn.relu(pooled @ i1W + i1b) @ i2W + i2b
    return (q, jax.nn.log_softmax(i, axis=1), i)

if __name__ == "__main__":
    import jax
    _d = setup_inputs()
    print(jax.jit(kernel)(*tuple(_d.values())))

</pallas_src>

<mosaic_0001>
#map = affine_map<(d0, d1) -> (0, 0)>
#map1 = affine_map<(d0, d1) -> (0)>
module attributes {stable_mosaic.version = 14 : i64} {
  func.func @_deg_kernel(%arg0: i32, %arg1: i32, %arg2: memref<2560x128xi32, #tpu.memory_space<hbm>>, %arg3: memref<81920xf32, #tpu.memory_space<hbm>>, %arg4: memref<128xf32, #tpu.memory_space<hbm>>, %arg5: memref<163840xf32, #tpu.memory_space<hbm>>, %arg6: memref<80x128xi32, #tpu.memory_space<vmem>>, %arg7: memref<128xf32, #tpu.memory_space<vmem>>, %arg8: memref<81920xf32, #tpu.memory_space<vmem_shared>>, %arg9: memref<!tpu.dma_semaphore, #tpu.memory_space<semaphore_mem>>) attributes {dimension_semantics = [#tpu.dimension_semantics<core_parallel>, #tpu.dimension_semantics<subcore_parallel>], iteration_bounds = array<i64: 2, 16>, scalar_prefetch = 0 : i64, scratch_operands = 4 : i64, tpu.core_type = #tpu.core_type<sc_vector_subcore>, window_params = [{transform_indices = #map}, {transform_indices = #map1}, {transform_indices = #map1}, {transform_indices = #map1}]} {
    %mul3A = arith.constant 16 : i32
    %mul3A_0 = arith.muli %arg0, %mul3A : i32
    %add3A = arith.addi %mul3A_0, %arg1 : i32
    %mul3A_1 = arith.constant 5120 : i32
    %mul3A_2 = arith.muli %arg1, %mul3A_1 : i32
    %mul3A_3 = arith.constant 5120 : i32
    %mul3A_4 = arith.muli %arg1, %mul3A_3 : i32
    "tpu.region"() ({
      %run_scoped3A = tpu.sem_alloc : memref<!tpu.dma_semaphore, #tpu.memory_space<semaphore_mem>>
      %dma_start3A = tpu.memref_slice %arg8[%mul3A_4] : memref<81920xf32, #tpu.memory_space<vmem_shared>> -> memref<5120xf32, #tpu.memory_space<vmem_shared>>
      %dma_start3A_22 = tpu.memref_slice %arg3[%mul3A_2] : memref<81920xf32, #tpu.memory_space<hbm>> -> memref<5120xf32, #tpu.memory_space<hbm>>
      tpu.enqueue_dma source(%dma_start3A_22 : memref<5120xf32, #tpu.memory_space<hbm>>) target(%dma_start3A : memref<5120xf32, #tpu.memory_space<vmem_shared>>) target_semaphore(%run_scoped3A : memref<!tpu.dma_semaphore, #tpu.memory_space<semaphore_mem>>)
      %dma_wait3A = tpu.memref_slice %arg8[%mul3A_4] : memref<81920xf32, #tpu.memory_space<vmem_shared>> -> memref<5120xf32, #tpu.memory_space<vmem_shared>>
      %dma_wait3A_23 = tpu.memref_slice %arg3[%mul3A_2] : memref<81920xf32, #tpu.memory_space<hbm>> -> memref<5120xf32, #tpu.memory_space<hbm>>
      tpu.wait_dma2 semaphore(%run_scoped3A : memref<!tpu.dma_semaphore, #tpu.memory_space<semaphore_mem>>) src(%dma_wait3A_23 : memref<5120xf32, #tpu.memory_space<hbm>>) dst(%dma_wait3A : memref<5120xf32, #tpu.memory_space<vmem_shared>>)
      tpu.yield
    }) : () -> ()
    "tpu.region"() ({
      %run_scoped3A = tpu.sem_alloc : memref<!tpu.dma_semaphore, #tpu.memory_space<semaphore_mem>>
      tpu.enqueue_dma source(%arg4 : memref<128xf32, #tpu.memory_space<hbm>>) target(%arg7 : memref<128xf32, #tpu.memory_space<vmem>>) target_semaphore(%run_scoped3A : memref<!tpu.dma_semaphore, #tpu.memory_space<semaphore_mem>>)
      tpu.wait_dma2 semaphore(%run_scoped3A : memref<!tpu.dma_semaphore, #tpu.memory_space<semaphore_mem>>) src(%arg4 : memref<128xf32, #tpu.memory_space<hbm>>) dst(%arg7 : memref<128xf32, #tpu.memory_space<vmem>>)
      tpu.yield
    }) : () -> ()
    %mul3A_5 = arith.constant 80 : i32
    %mul3A_6 = arith.muli %add3A, %mul3A_5 : i32
    "tpu.region"() ({
      %run_scoped3A = tpu.sem_alloc : memref<!tpu.dma_semaphore, #tpu.memory_space<semaphore_mem>>
      %dma_start3A = arith.constant 0 : i32
      %dma_start3A_22 = tpu.memref_slice %arg2[%mul3A_6, %dma_start3A] : memref<2560x128xi32, #tpu.memory_space<hbm>> -> memref<80x128xi32, #tpu.memory_space<hbm>>
      %dma_start3A_23 = arith.constant 0 : i32
      %dma_start3A_24 = tpu.memref_slice %arg2[%mul3A_6, %dma_start3A_23] : memref<2560x128xi32, #tpu.memory_space<hbm>> -> memref<80x128xi32, #tpu.memory_space<hbm>>
      tpu.enqueue_dma source(%dma_start3A_24 : memref<80x128xi32, #tpu.memory_space<hbm>>) target(%arg6 : memref<80x128xi32, #tpu.memory_space<vmem>>) target_semaphore(%run_scoped3A : memref<!tpu.dma_semaphore, #tpu.memory_space<semaphore_mem>>)
      %dma_wait3A = arith.constant 0 : i32
      %dma_wait3A_25 = tpu.memref_slice %arg2[%mul3A_6, %dma_wait3A] : memref<2560x128xi32, #tpu.memory_space<hbm>> -> memref<80x128xi32, #tpu.memory_space<hbm>>
      %dma_wait3A_26 = arith.constant 0 : i32
      %dma_wait3A_27 = tpu.memref_slice %arg2[%mul3A_6, %dma_wait3A_26] : memref<2560x128xi32, #tpu.memory_space<hbm>> -> memref<80x128xi32, #tpu.memory_space<hbm>>
      tpu.wait_dma2 semaphore(%run_scoped3A : memref<!tpu.dma_semaphore, #tpu.memory_space<semaphore_mem>>) src(%dma_wait3A_27 : memref<80x128xi32, #tpu.memory_space<hbm>>) dst(%arg6 : memref<80x128xi32, #tpu.memory_space<vmem>>)
      tpu.yield
    }) : () -> ()
    %barrier3A = arith.constant 0 : index
    tpu.barrier barrier_id(%barrier3A)
    %scan3A = arith.constant 0 : i32
    %scan3A_7 = arith.constant 0 : i32
    %scan3A_8 = arith.constant 20 : i32
    %scan3A_9 = arith.addi %scan3A_7, %scan3A_8 : i32
    %scan3A_10 = arith.constant 1 : i32
    scf.for %scan3A_22 = %scan3A_7 to %scan3A_9 step %scan3A_10  : i32 {
      %mul3A_23 = arith.constant 4 : i32
      %mul3A_24 = arith.muli %scan3A_22, %mul3A_23 : i32
      %add3A_25 = arith.constant 0 : i32
      %add3A_26 = arith.addi %mul3A_24, %add3A_25 : i32
      %dma_start3A = arith.constant 0 : i32
      %dma_start3A_27 = tpu.memref_slice %arg6[%add3A_26, %dma_start3A] : memref<80x128xi32, #tpu.memory_space<vmem>> -> memref<1x128xi32, #tpu.memory_space<vmem>>
      %dma_start3A_28 = tpu.memref_squeeze %dma_start3A_27 : memref<1x128xi32, #tpu.memory_space<vmem>> -> memref<128xi32, #tpu.memory_space<vmem>>
      %dma_start3A_29 = arith.constant 0 : i32
      %dma_start3A_30 = tpu.memref_slice %arg8[%dma_start3A_29] : memref<81920xf32, #tpu.memory_space<vmem_shared>> -> memref<81920xf32, #tpu.memory_space<vmem_shared>>
      tpu.enqueue_indirect_dma source(%arg7 : memref<128xf32, #tpu.memory_space<vmem>>) target(%dma_start3A_30 : memref<81920xf32, #tpu.memory_space<vmem_shared>>) offsets(%dma_start3A_28 : memref<128xi32, #tpu.memory_space<vmem>>) semaphore(%arg9 : memref<!tpu.dma_semaphore, #tpu.memory_space<semaphore_mem>>) {add = true}
      %add3A_31 = arith.constant 1 : i32
      %add3A_32 = arith.addi %mul3A_24, %add3A_31 : i32
      %dma_start3A_33 = arith.constant 0 : i32
      %dma_start3A_34 = tpu.memref_slice %arg6[%add3A_32, %dma_start3A_33] : memref<80x128xi32, #tpu.memory_space<vmem>> -> memref<1x128xi32, #tpu.memory_space<vmem>>
      %dma_start3A_35 = tpu.memref_squeeze %dma_start3A_34 : memref<1x128xi32, #tpu.memory_space<vmem>> -> memref<128xi32, #tpu.memory_space<vmem>>
      %dma_start3A_36 = arith.constant 0 : i32
      %dma_start3A_37 = tpu.memref_slice %arg8[%dma_start3A_36] : memref<81920xf32, #tpu.memory_space<vmem_shared>> -> memref<81920xf32, #tpu.memory_space<vmem_shared>>
      tpu.enqueue_indirect_dma source(%arg7 : memref<128xf32, #tpu.memory_space<vmem>>) target(%dma_start3A_37 : memref<81920xf32, #tpu.memory_space<vmem_shared>>) offsets(%dma_start3A_35 : memref<128xi32, #tpu.memory_space<vmem>>) semaphore(%arg9 : memref<!tpu.dma_semaphore, #tpu.memory_space<semaphore_mem>>) {add = true}
      %add3A_38 = arith.constant 2 : i32
      %add3A_39 = arith.addi %mul3A_24, %add3A_38 : i32
      %dma_start3A_40 = arith.constant 0 : i32
      %dma_start3A_41 = tpu.memref_slice %arg6[%add3A_39, %dma_start3A_40] : memref<80x128xi32, #tpu.memory_space<vmem>> -> memref<1x128xi32, #tpu.memory_space<vmem>>
      %dma_start3A_42 = tpu.memref_squeeze %dma_start3A_41 : memref<1x128xi32, #tpu.memory_space<vmem>> -> memref<128xi32, #tpu.memory_space<vmem>>
      %dma_start3A_43 = arith.constant 0 : i32
      %dma_start3A_44 = tpu.memref_slice %arg8[%dma_start3A_43] : memref<81920xf32, #tpu.memory_space<vmem_shared>> -> memref<81920xf32, #tpu.memory_space<vmem_shared>>
      tpu.enqueue_indirect_dma source(%arg7 : memref<128xf32, #tpu.memory_space<vmem>>) target(%dma_start3A_44 : memref<81920xf32, #tpu.memory_space<vmem_shared>>) offsets(%dma_start3A_42 : memref<128xi32, #tpu.memory_space<vmem>>) semaphore(%arg9 : memref<!tpu.dma_semaphore, #tpu.memory_space<semaphore_mem>>) {add = true}
      %add3A_45 = arith.constant 3 : i32
      %add3A_46 = arith.addi %mul3A_24, %add3A_45 : i32
      %dma_start3A_47 = arith.constant 0 : i32
      %dma_start3A_48 = tpu.memref_slice %arg6[%add3A_46, %dma_start3A_47] : memref<80x128xi32, #tpu.memory_space<vmem>> -> memref<1x128xi32, #tpu.memory_space<vmem>>
      %dma_start3A_49 = tpu.memref_squeeze %dma_start3A_48 : memref<1x128xi32, #tpu.memory_space<vmem>> -> memref<128xi32, #tpu.memory_space<vmem>>
      %dma_start3A_50 = arith.constant 0 : i32
      %dma_start3A_51 = tpu.memref_slice %arg8[%dma_start3A_50] : memref<81920xf32, #tpu.memory_space<vmem_shared>> -> memref<81920xf32, #tpu.memory_space<vmem_shared>>
      tpu.enqueue_indirect_dma source(%arg7 : memref<128xf32, #tpu.memory_space<vmem>>) target(%dma_start3A_51 : memref<81920xf32, #tpu.memory_space<vmem_shared>>) offsets(%dma_start3A_49 : memref<128xi32, #tpu.memory_space<vmem>>) semaphore(%arg9 : memref<!tpu.dma_semaphore, #tpu.memory_space<semaphore_mem>>) {add = true}
      %dma_wait3A = arith.constant 0 : i32
      %dma_wait3A_52 = tpu.memref_slice %arg6[%add3A_26, %dma_wait3A] : memref<80x128xi32, #tpu.memory_space<vmem>> -> memref<1x128xi32, #tpu.memory_space<vmem>>
      %dma_wait3A_53 = tpu.memref_squeeze %dma_wait3A_52 : memref<1x128xi32, #tpu.memory_space<vmem>> -> memref<128xi32, #tpu.memory_space<vmem>>
      %dma_wait3A_54 = arith.constant 0 : i32
      %dma_wait3A_55 = tpu.memref_slice %arg8[%dma_wait3A_54] : memref<81920xf32, #tpu.memory_space<vmem_shared>> -> memref<81920xf32, #tpu.memory_space<vmem_shared>>
      tpu.wait_indirect_dma semaphore(%arg9 : memref<!tpu.dma_semaphore, #tpu.memory_space<semaphore_mem>>) src(%arg7 : memref<128xf32, #tpu.memory_space<vmem>>) dst(%dma_wait3A_55 : memref<81920xf32, #tpu.memory_space<vmem_shared>>)
      %dma_wait3A_56 = arith.constant 0 : i32
      %dma_wait3A_57 = tpu.memref_slice %arg6[%add3A_32, %dma_wait3A_56] : memref<80x128xi32, #tpu.memory_space<vmem>> -> memref<1x128xi32, #tpu.memory_space<vmem>>
      %dma_wait3A_58 = tpu.memref_squeeze %dma_wait3A_57 : memref<1x128xi32, #tpu.memory_space<vmem>> -> memref<128xi32, #tpu.memory_space<vmem>>
      %dma_wait3A_59 = arith.constant 0 : i32
      %dma_wait3A_60 = tpu.memref_slice %arg8[%dma_wait3A_59] : memref<81920xf32, #tpu.memory_space<vmem_shared>> -> memref<81920xf32, #tpu.memory_space<vmem_shared>>
      tpu.wait_indirect_dma semaphore(%arg9 : memref<!tpu.dma_semaphore, #tpu.memory_space<semaphore_mem>>) src(%arg7 : memref<128xf32, #tpu.memory_space<vmem>>) dst(%dma_wait3A_60 : memref<81920xf32, #tpu.memory_space<vmem_shared>>)
      %dma_wait3A_61 = arith.constant 0 : i32
      %dma_wait3A_62 = tpu.memref_slice %arg6[%add3A_39, %dma_wait3A_61] : memref<80x128xi32, #tpu.memory_space<vmem>> -> memref<1x128xi32, #tpu.memory_space<vmem>>
      %dma_wait3A_63 = tpu.memref_squeeze %dma_wait3A_62 : memref<1x128xi32, #tpu.memory_space<vmem>> -> memref<128xi32, #tpu.memory_space<vmem>>
      %dma_wait3A_64 = arith.constant 0 : i32
      %dma_wait3A_65 = tpu.memref_slice %arg8[%dma_wait3A_64] : memref<81920xf32, #tpu.memory_space<vmem_shared>> -> memref<81920xf32, #tpu.memory_space<vmem_shared>>
      tpu.wait_indirect_dma semaphore(%arg9 : memref<!tpu.dma_semaphore, #tpu.memory_space<semaphore_mem>>) src(%arg7 : memref<128xf32, #tpu.memory_space<vmem>>) dst(%dma_wait3A_65 : memref<81920xf32, #tpu.memory_space<vmem_shared>>)
      %dma_wait3A_66 = arith.constant 0 : i32
      %dma_wait3A_67 = tpu.memref_slice %arg6[%add3A_46, %dma_wait3A_66] : memref<80x128xi32, #tpu.memory_space<vmem>> -> memref<1x128xi32, #tpu.memory_space<vmem>>
      %dma_wait3A_68 = tpu.memref_squeeze %dma_wait3A_67 : memref<1x128xi32, #tpu.memory_space<vmem>> -> memref<128xi32, #tpu.memory_space<vmem>>
      %dma_wait3A_69 = arith.constant 0 : i32
      %dma_wait3A_70 = tpu.memref_slice %arg8[%dma_wait3A_69] : memref<81920xf32, #tpu.memory_space<vmem_shared>> -> memref<81920xf32, #tpu.memory_space<vmem_shared>>
      tpu.wait_indirect_dma semaphore(%arg9 : memref<!tpu.dma_semaphore, #tpu.memory_space<semaphore_mem>>) src(%arg7 : memref<128xf32, #tpu.memory_space<vmem>>) dst(%dma_wait3A_70 : memref<81920xf32, #tpu.memory_space<vmem_shared>>)
    }
    %scan3A_11 = arith.constant 20 : i32
    %barrier3A_12 = arith.constant 0 : index
    tpu.barrier barrier_id(%barrier3A_12)
    %mul3A_13 = arith.constant 5120 : i32
    %mul3A_14 = arith.muli %arg1, %mul3A_13 : i32
    %mul3A_15 = arith.constant 8 : i32
    %mul3A_16 = arith.muli %arg0, %mul3A_15 : i32
    %mul3A_17 = arith.constant 10240 : i32
    %mul3A_18 = arith.muli %mul3A_16, %mul3A_17 : i32
    %mul3A_19 = arith.constant 5120 : i32
    %mul3A_20 = arith.muli %arg1, %mul3A_19 : i32
    %add3A_21 = arith.addi %mul3A_18, %mul3A_20 : i32
    "tpu.region"() ({
      %run_scoped3A = tpu.sem_alloc : memref<!tpu.dma_semaphore, #tpu.memory_space<semaphore_mem>>
      %dma_start3A = tpu.memref_slice %arg5[%add3A_21] : memref<163840xf32, #tpu.memory_space<hbm>> -> memref<5120xf32, #tpu.memory_space<hbm>>
      %dma_start3A_22 = tpu.memref_slice %arg8[%mul3A_14] : memref<81920xf32, #tpu.memory_space<vmem_shared>> -> memref<5120xf32, #tpu.memory_space<vmem_shared>>
      tpu.enqueue_dma source(%dma_start3A_22 : memref<5120xf32, #tpu.memory_space<vmem_shared>>) target(%dma_start3A : memref<5120xf32, #tpu.memory_space<hbm>>) target_semaphore(%run_scoped3A : memref<!tpu.dma_semaphore, #tpu.memory_space<semaphore_mem>>)
      %dma_wait3A = tpu.memref_slice %arg5[%add3A_21] : memref<163840xf32, #tpu.memory_space<hbm>> -> memref<5120xf32, #tpu.memory_space<hbm>>
      %dma_wait3A_23 = tpu.memref_slice %arg8[%mul3A_14] : memref<81920xf32, #tpu.memory_space<vmem_shared>> -> memref<5120xf32, #tpu.memory_space<vmem_shared>>
      tpu.wait_dma2 semaphore(%run_scoped3A : memref<!tpu.dma_semaphore, #tpu.memory_space<semaphore_mem>>) src(%dma_wait3A_23 : memref<5120xf32, #tpu.memory_space<vmem_shared>>) dst(%dma_wait3A : memref<5120xf32, #tpu.memory_space<hbm>>)
      tpu.yield
    }) : () -> ()
    return
  }
}

#map = affine_map<(d0, d1) -> (0, 0)>
module attributes {stable_mosaic.version = 14 : i64} {
  func.func @_prop1(%arg0: i32, %arg1: i32, %arg2: memref<10240x128xf32, #tpu.memory_space<hbm>>, %arg3: memref<2560x128xi32, #tpu.memory_space<hbm>>, %arg4: memref<2560x128xi32, #tpu.memory_space<hbm>>, %arg5: memref<20480x128xf32, #tpu.memory_space<hbm>>, %arg6: memref<40x128xi32, #tpu.memory_space<vmem>>, %arg7: memref<40x128xi32, #tpu.memory_space<vmem>>, %arg8: memref<128x128xf32, #tpu.memory_space<vmem>>, %arg9: memref<128x128xf32, #tpu.memory_space<vmem>>, %arg10: memref<10240x128xf32, #tpu.memory_space<vmem_shared>>, %arg11: memref<!tpu.dma_semaphore, #tpu.memory_space<semaphore_mem>>, %arg12: memref<!tpu.dma_semaphore, #tpu.memory_space<semaphore_mem>>, %arg13: memref<!tpu.dma_semaphore, #tpu.memory_space<semaphore_mem>>, %arg14: memref<!tpu.dma_semaphore, #tpu.memory_space<semaphore_mem>>) attributes {dimension_semantics = [#tpu.dimension_semantics<core_parallel>, #tpu.dimension_semantics<subcore_parallel>], iteration_bounds = array<i64: 2, 16>, scalar_prefetch = 0 : i64, scratch_operands = 9 : i64, tpu.core_type = #tpu.core_type<sc_vector_subcore>, window_params = [{transform_indices = #map}, {transform_indices = #map}, {transform_indices = #map}, {transform_indices = #map}]} {
    %mul3A = arith.constant 16 : i32
    %mul3A_0 = arith.muli %arg0, %mul3A : i32
    %add3A = arith.addi %mul3A_0, %arg1 : i32
    %mul3A_1 = arith.constant 640 : i32
    %mul3A_2 = arith.muli %arg1, %mul3A_1 : i32
    %mul3A_3 = arith.constant 640 : i32
    %mul3A_4 = arith.muli %arg1, %mul3A_3 : i32
    "tpu.region"() ({
      %run_scoped3A = tpu.sem_alloc : memref<!tpu.dma_semaphore, #tpu.memory_space<semaphore_mem>>
      %dma_start3A = arith.constant 0 : i32
      %dma_start3A_22 = tpu.memref_slice %arg10[%mul3A_4, %dma_start3A] : memref<10240x128xf32, #tpu.memory_space<vmem_shared>> -> memref<640x128xf32, #tpu.memory_space<vmem_shared>>
      %dma_start3A_23 = arith.constant 0 : i32
      %dma_start3A_24 = tpu.memref_slice %arg2[%mul3A_2, %dma_start3A_23] : memref<10240x128xf32, #tpu.memory_space<hbm>> -> memref<640x128xf32, #tpu.memory_space<hbm>>
      tpu.enqueue_dma source(%dma_start3A_24 : memref<640x128xf32, #tpu.memory_space<hbm>>) target(%dma_start3A_22 : memref<640x128xf32, #tpu.memory_space<vmem_shared>>) target_semaphore(%run_scoped3A : memref<!tpu.dma_semaphore, #tpu.memory_space<semaphore_mem>>)
      %dma_wait3A = arith.constant 0 : i32
      %dma_wait3A_25 = tpu.memref_slice %arg10[%mul3A_4, %dma_wait3A] : memref<10240x128xf32, #tpu.memory_space<vmem_shared>> -> memref<640x128xf32, #tpu.memory_space<vmem_shared>>
      %dma_wait3A_26 = arith.constant 0 : i32
      %dma_wait3A_27 = tpu.memref_slice %arg2[%mul3A_2, %dma_wait3A_26] : memref<10240x128xf32, #tpu.memory_space<hbm>> -> memref<640x128xf32, #tpu.memory_space<hbm>>
      tpu.wait_dma2 semaphore(%run_scoped3A : memref<!tpu.dma_semaphore, #tpu.memory_space<semaphore_mem>>) src(%dma_wait3A_27 : memref<640x128xf32, #tpu.memory_space<hbm>>) dst(%dma_wait3A_25 : memref<640x128xf32, #tpu.memory_space<vmem_shared>>)
      tpu.yield
    }) : () -> ()
    %barrier3A = arith.constant 0 : index
    tpu.barrier barrier_id(%barrier3A)
    %mul3A_5 = arith.constant 80 : i32
    %mul3A_6 = arith.muli %add3A, %mul3A_5 : i32
    %mul3A_7 = arith.constant 80 : i32
    %mul3A_8 = arith.muli %add3A, %mul3A_7 : i32
    %scan3A = arith.constant 0 : i32
    %scan3A_9 = arith.constant 0 : i32
    %scan3A_10 = arith.constant 2 : i32
    %scan3A_11 = arith.addi %scan3A_9, %scan3A_10 : i32
    %scan3A_12 = arith.constant 1 : i32
    scf.for %scan3A_22 = %scan3A_9 to %scan3A_11 step %scan3A_12  : i32 {
      %mul3A_23 = arith.constant 40 : i32
      %mul3A_24 = arith.muli %scan3A_22, %mul3A_23 : i32
      %add3A_25 = arith.addi %mul3A_6, %mul3A_24 : i32
      "tpu.region"() ({
        %run_scoped3A = tpu.sem_alloc : memref<!tpu.dma_semaphore, #tpu.memory_space<semaphore_mem>>
        %dma_start3A_40 = arith.constant 0 : i32
        %dma_start3A_41 = tpu.memref_slice %arg3[%add3A_25, %dma_start3A_40] : memref<2560x128xi32, #tpu.memory_space<hbm>> -> memref<40x128xi32, #tpu.memory_space<hbm>>
        %dma_start3A_42 = arith.constant 0 : i32
        %dma_start3A_43 = tpu.memref_slice %arg3[%add3A_25, %dma_start3A_42] : memref<2560x128xi32, #tpu.memory_space<hbm>> -> memref<40x128xi32, #tpu.memory_space<hbm>>
        tpu.enqueue_dma source(%dma_start3A_43 : memref<40x128xi32, #tpu.memory_space<hbm>>) target(%arg6 : memref<40x128xi32, #tpu.memory_space<vmem>>) target_semaphore(%run_scoped3A : memref<!tpu.dma_semaphore, #tpu.memory_space<semaphore_mem>>)
        %dma_wait3A = arith.constant 0 : i32
        %dma_wait3A_44 = tpu.memref_slice %arg3[%add3A_25, %dma_wait3A] : memref<2560x128xi32, #tpu.memory_space<hbm>> -> memref<40x128xi32, #tpu.memory_space<hbm>>
        %dma_wait3A_45 = arith.constant 0 : i32
        %dma_wait3A_46 = tpu.memref_slice %arg3[%add3A_25, %dma_wait3A_45] : memref<2560x128xi32, #tpu.memory_space<hbm>> -> memref<40x128xi32, #tpu.memory_space<hbm>>
        tpu.wait_dma2 semaphore(%run_scoped3A : memref<!tpu.dma_semaphore, #tpu.memory_space<semaphore_mem>>) src(%dma_wait3A_46 : memref<40x128xi32, #tpu.memory_space<hbm>>) dst(%arg6 : memref<40x128xi32, #tpu.memory_space<vmem>>)
        tpu.yield
      }) : () -> ()
      %mul3A_26 = arith.constant 40 : i32
      %mul3A_27 = arith.muli %scan3A_22, %mul3A_26 : i32
      %add3A_28 = arith.addi %mul3A_8, %mul3A_27 : i32
      "tpu.region"() ({
        %run_scoped3A = tpu.sem_alloc : memref<!tpu.dma_semaphore, #tpu.memory_space<semaphore_mem>>
        %dma_start3A_40 = arith.constant 0 : i32
        %dma_start3A_41 = tpu.memref_slice %arg4[%add3A_28, %dma_start3A_40] : memref<2560x128xi32, #tpu.memory_space<hbm>> -> memref<40x128xi32, #tpu.memory_space<hbm>>
        %dma_start3A_42 = arith.constant 0 : i32
        %dma_start3A_43 = tpu.memref_slice %arg4[%add3A_28, %dma_start3A_42] : memref<2560x128xi32, #tpu.memory_space<hbm>> -> memref<40x128xi32, #tpu.memory_space<hbm>>
        tpu.enqueue_dma source(%dma_start3A_43 : memref<40x128xi32, #tpu.memory_space<hbm>>) target(%arg7 : memref<40x128xi32, #tpu.memory_space<vmem>>) target_semaphore(%run_scoped3A : memref<!tpu.dma_semaphore, #tpu.memory_space<semaphore_mem>>)
        %dma_wait3A = arith.constant 0 : i32
        %dma_wait3A_44 = tpu.memref_slice %arg4[%add3A_28, %dma_wait3A] : memref<2560x128xi32, #tpu.memory_space<hbm>> -> memref<40x128xi32, #tpu.memory_space<hbm>>
        %dma_wait3A_45 = arith.constant 0 : i32
        %dma_wait3A_46 = tpu.memref_slice %arg4[%add3A_28, %dma_wait3A_45] : memref<2560x128xi32, #tpu.memory_space<hbm>> -> memref<40x128xi32, #tpu.memory_space<hbm>>
        tpu.wait_dma2 semaphore(%run_scoped3A : memref<!tpu.dma_semaphore, #tpu.memory_space<semaphore_mem>>) src(%dma_wait3A_46 : memref<40x128xi32, #tpu.memory_space<hbm>>) dst(%arg7 : memref<40x128xi32, #tpu.memory_space<vmem>>)
        tpu.yield
      }) : () -> ()
      %dma_start3A = arith.constant 0 : i32
      %dma_start3A_29 = arith.constant 0 : i32
      %dma_start3A_30 = tpu.memref_slice %arg6[%dma_start3A, %dma_start3A_29] : memref<40x128xi32, #tpu.memory_space<vmem>> -> memref<1x128xi32, #tpu.memory_space<vmem>>
      %dma_start3A_31 = tpu.memref_squeeze %dma_start3A_30 : memref<1x128xi32, #tpu.memory_space<vmem>> -> memref<128xi32, #tpu.memory_space<vmem>>
      %dma_start3A_32 = arith.constant 0 : i32
      %dma_start3A_33 = arith.constant 0 : i32
      %dma_start3A_34 = tpu.memref_slice %arg2[%dma_start3A_32, %dma_start3A_33] : memref<10240x128xf32, #tpu.memory_space<hbm>> -> memref<10240x128xf32, #tpu.memory_space<hbm>>
      tpu.enqueue_indirect_dma source(%dma_start3A_34 : memref<10240x128xf32, #tpu.memory_space<hbm>>) target(%arg8 : memref<128x128xf32, #tpu.memory_space<vmem>>) offsets(%dma_start3A_31 : memref<128xi32, #tpu.memory_space<vmem>>) semaphore(%arg11 : memref<!tpu.dma_semaphore, #tpu.memory_space<semaphore_mem>>)
      %scan3A_35 = arith.constant 0 : i32
      %scan3A_36 = arith.constant 20 : i32
      %scan3A_37 = arith.addi %scan3A_35, %scan3A_36 : i32
      %scan3A_38 = arith.constant 1 : i32
      scf.for %scan3A_40 = %scan3A_35 to %scan3A_37 step %scan3A_38  : i32 {
        %mul3A_41 = arith.constant 2 : i32
        %mul3A_42 = arith.muli %mul3A_41, %scan3A_40 : i32
        %add3A_43 = arith.constant 1 : i32
        %add3A_44 = arith.addi %mul3A_42, %add3A_43 : i32
        %dma_start3A_45 = arith.constant 0 : i32
        %dma_start3A_46 = tpu.memref_slice %arg6[%add3A_44, %dma_start3A_45] : memref<40x128xi32, #tpu.memory_space<vmem>> -> memref<1x128xi32, #tpu.memory_space<vmem>>
        %dma_start3A_47 = tpu.memref_squeeze %dma_start3A_46 : memref<1x128xi32, #tpu.memory_space<vmem>> -> memref<128xi32, #tpu.memory_space<vmem>>
        %dma_start3A_48 = arith.constant 0 : i32
        %dma_start3A_49 = arith.constant 0 : i32
        %dma_start3A_50 = tpu.memref_slice %arg2[%dma_start3A_48, %dma_start3A_49] : memref<10240x128xf32, #tpu.memory_space<hbm>> -> memref<10240x128xf32, #tpu.memory_space<hbm>>
        tpu.enqueue_indirect_dma source(%dma_start3A_50 : memref<10240x128xf32, #tpu.memory_space<hbm>>) target(%arg9 : memref<128x128xf32, #tpu.memory_space<vmem>>) offsets(%dma_start3A_47 : memref<128xi32, #tpu.memory_space<vmem>>) semaphore(%arg12 : memref<!tpu.dma_semaphore, #tpu.memory_space<semaphore_mem>>)
        %dma_wait3A = arith.constant 0 : i32
        %dma_wait3A_51 = tpu.memref_slice %arg6[%mul3A_42, %dma_wait3A] : memref<40x128xi32, #tpu.memory_space<vmem>> -> memref<1x128xi32, #tpu.memory_space<vmem>>
        %dma_wait3A_52 = tpu.memref_squeeze %dma_wait3A_51 : memref<1x128xi32, #tpu.memory_space<vmem>> -> memref<128xi32, #tpu.memory_space<vmem>>
        %dma_wait3A_53 = arith.constant 0 : i32
        %dma_wait3A_54 = arith.constant 0 : i32
        %dma_wait3A_55 = tpu.memref_slice %arg2[%dma_wait3A_53, %dma_wait3A_54] : memref<10240x128xf32, #tpu.memory_space<hbm>> -> memref<10240x128xf32, #tpu.memory_space<hbm>>
        tpu.wait_indirect_dma semaphore(%arg11 : memref<!tpu.dma_semaphore, #tpu.memory_space<semaphore_mem>>) src(%dma_wait3A_55 : memref<10240x128xf32, #tpu.memory_space<hbm>>) dst(%arg8 : memref<128x128xf32, #tpu.memory_space<vmem>>)
        %dma_start3A_56 = arith.constant 0 : i32
        %dma_start3A_57 = tpu.memref_slice %arg7[%mul3A_42, %dma_start3A_56] : memref<40x128xi32, #tpu.memory_space<vmem>> -> memref<1x128xi32, #tpu.memory_space<vmem>>
        %dma_start3A_58 = tpu.memref_squeeze %dma_start3A_57 : memref<1x128xi32, #tpu.memory_space<vmem>> -> memref<128xi32, #tpu.memory_space<vmem>>
        %dma_start3A_59 = arith.constant 0 : i32
        %dma_start3A_60 = arith.constant 0 : i32
        %dma_start3A_61 = tpu.memref_slice %arg10[%dma_start3A_59, %dma_start3A_60] : memref<10240x128xf32, #tpu.memory_space<vmem_shared>> -> memref<10240x128xf32, #tpu.memory_space<vmem_shared>>
        tpu.enqueue_indirect_dma source(%arg8 : memref<128x128xf32, #tpu.memory_space<vmem>>) target(%dma_start3A_61 : memref<10240x128xf32, #tpu.memory_space<vmem_shared>>) offsets(%dma_start3A_58 : memref<128xi32, #tpu.memory_space<vmem>>) semaphore(%arg13 : memref<!tpu.dma_semaphore, #tpu.memory_space<semaphore_mem>>) {add = true}
        %dma_wait3A_62 = arith.constant 0 : i32
        %dma_wait3A_63 = tpu.memref_slice %arg7[%mul3A_42, %dma_wait3A_62] : memref<40x128xi32, #tpu.memory_space<vmem>> -> memref<1x128xi32, #tpu.memory_space<vmem>>
        %dma_wait3A_64 = tpu.memref_squeeze %dma_wait3A_63 : memref<1x128xi32, #tpu.memory_space<vmem>> -> memref<128xi32, #tpu.memory_space<vmem>>
        %dma_wait3A_65 = arith.constant 0 : i32
        %dma_wait3A_66 = arith.constant 0 : i32
        %dma_wait3A_67 = tpu.memref_slice %arg10[%dma_wait3A_65, %dma_wait3A_66] : memref<10240x128xf32, #tpu.memory_space<vmem_shared>> -> memref<10240x128xf32, #tpu.memory_space<vmem_shared>>
        tpu.wait_indirect_dma semaphore(%arg13 : memref<!tpu.dma_semaphore, #tpu.memory_space<semaphore_mem>>) src(%arg8 : memref<128x128xf32, #tpu.memory_space<vmem>>) dst(%dma_wait3A_67 : memref<10240x128xf32, #tpu.memory_space<vmem_shared>>)
        %lt3A = arith.constant 19 : i32
        %lt3A_68 = arith.cmpi slt, %scan3A_40, %lt3A : i32
        %convert_element_type3A = arith.extui %lt3A_68 : i1 to i32
        %cond3A = arith.constant 0 : i32
        %cond3A_69 = arith.cmpi ne, %convert_element_type3A, %cond3A : i32
        scf.if %cond3A_69 {
          %add3A_88 = arith.constant 2 : i32
          %add3A_89 = arith.addi %mul3A_42, %add3A_88 : i32
          %dma_start3A_90 = arith.constant 0 : i32
          %dma_start3A_91 = tpu.memref_slice %arg6[%add3A_89, %dma_start3A_90] : memref<40x128xi32, #tpu.memory_space<vmem>> -> memref<1x128xi32, #tpu.memory_space<vmem>>
          %dma_start3A_92 = tpu.memref_squeeze %dma_start3A_91 : memref<1x128xi32, #tpu.memory_space<vmem>> -> memref<128xi32, #tpu.memory_space<vmem>>
          %dma_start3A_93 = arith.constant 0 : i32
          %dma_start3A_94 = arith.constant 0 : i32
          %dma_start3A_95 = tpu.memref_slice %arg2[%dma_start3A_93, %dma_start3A_94] : memref<10240x128xf32, #tpu.memory_space<hbm>> -> memref<10240x128xf32, #tpu.memory_space<hbm>>
          tpu.enqueue_indirect_dma source(%dma_start3A_95 : memref<10240x128xf32, #tpu.memory_space<hbm>>) target(%arg8 : memref<128x128xf32, #tpu.memory_space<vmem>>) offsets(%dma_start3A_92 : memref<128xi32, #tpu.memory_space<vmem>>) semaphore(%arg11 : memref<!tpu.dma_semaphore, #tpu.memory_space<semaphore_mem>>)
        } else {
        }
        %dma_wait3A_70 = arith.constant 0 : i32
        %dma_wait3A_71 = tpu.memref_slice %arg6[%add3A_44, %dma_wait3A_70] : memref<40x128xi32, #tpu.memory_space<vmem>> -> memref<1x128xi32, #tpu.memory_space<vmem>>
        %dma_wait3A_72 = tpu.memref_squeeze %dma_wait3A_71 : memref<1x128xi32, #tpu.memory_space<vmem>> -> memref<128xi32, #tpu.memory_space<vmem>>
        %dma_wait3A_73 = arith.constant 0 : i32
        %dma_wait3A_74 = arith.constant 0 : i32
        %dma_wait3A_75 = tpu.memref_slice %arg2[%dma_wait3A_73, %dma_wait3A_74] : memref<10240x128xf32, #tpu.memory_space<hbm>> -> memref<10240x128xf32, #tpu.memory_space<hbm>>
        tpu.wait_indirect_dma semaphore(%arg12 : memref<!tpu.dma_semaphore, #tpu.memory_space<semaphore_mem>>) src(%dma_wait3A_75 : memref<10240x128xf32, #tpu.memory_space<hbm>>) dst(%arg9 : memref<128x128xf32, #tpu.memory_space<vmem>>)
        %dma_start3A_76 = arith.constant 0 : i32
        %dma_start3A_77 = tpu.memref_slice %arg7[%add3A_44, %dma_start3A_76] : memref<40x128xi32, #tpu.memory_space<vmem>> -> memref<1x128xi32, #tpu.memory_space<vmem>>
        %dma_start3A_78 = tpu.memref_squeeze %dma_start3A_77 : memref<1x128xi32, #tpu.memory_space<vmem>> -> memref<128xi32, #tpu.memory_space<vmem>>
        %dma_start3A_79 = arith.constant 0 : i32
        %dma_start3A_80 = arith.constant 0 : i32
        %dma_start3A_81 = tpu.memref_slice %arg10[%dma_start3A_79, %dma_start3A_80] : memref<10240x128xf32, #tpu.memory_space<vmem_shared>> -> memref<10240x128xf32, #tpu.memory_space<vmem_shared>>
        tpu.enqueue_indirect_dma source(%arg9 : memref<128x128xf32, #tpu.memory_space<vmem>>) target(%dma_start3A_81 : memref<10240x128xf32, #tpu.memory_space<vmem_shared>>) offsets(%dma_start3A_78 : memref<128xi32, #tpu.memory_space<vmem>>) semaphore(%arg14 : memref<!tpu.dma_semaphore, #tpu.memory_space<semaphore_mem>>) {add = true}
        %dma_wait3A_82 = arith.constant 0 : i32
        %dma_wait3A_83 = tpu.memref_slice %arg7[%add3A_44, %dma_wait3A_82] : memref<40x128xi32, #tpu.memory_space<vmem>> -> memref<1x128xi32, #tpu.memory_space<vmem>>
        %dma_wait3A_84 = tpu.memref_squeeze %dma_wait3A_83 : memref<1x128xi32, #tpu.memory_space<vmem>> -> memref<128xi32, #tpu.memory_space<vmem>>
        %dma_wait3A_85 = arith.constant 0 : i32
        %dma_wait3A_86 = arith.constant 0 : i32
        %dma_wait3A_87 = tpu.memref_slice %arg10[%dma_wait3A_85, %dma_wait3A_86] : memref<10240x128xf32, #tpu.memory_space<vmem_shared>> -> memref<10240x128xf32, #tpu.memory_space<vmem_shared>>
        tpu.wait_indirect_dma semaphore(%arg14 : memref<!tpu.dma_semaphore, #tpu.memory_space<semaphore_mem>>) src(%arg9 : memref<128x128xf32, #tpu.memory_space<vmem>>) dst(%dma_wait3A_87 : memref<10240x128xf32, #tpu.memory_space<vmem_shared>>)
      }
      %scan3A_39 = arith.constant 20 : i32
    }
    %scan3A_13 = arith.constant 2 : i32
    %barrier3A_14 = arith.constant 0 : index
    tpu.barrier barrier_id(%barrier3A_14)
    %mul3A_15 = arith.constant 640 : i32
    %mul3A_16 = arith.muli %arg1, %mul3A_15 : i32
    %mul3A_17 = arith.constant 10240 : i32
    %mul3A_18 = arith.muli %arg0, %mul3A_17 : i32
    %mul3A_19 = arith.constant 640 : i32
    %mul3A_20 = arith.muli %arg1, %mul3A_19 : i32
    %add3A_21 = arith.addi %mul3A_18, %mul3A_20 : i32
    "tpu.region"() ({
      %run_scoped3A = tpu.sem_alloc : memref<!tpu.dma_semaphore, #tpu.memory_space<semaphore_mem>>
      %dma_start3A = arith.constant 0 : i32
      %dma_start3A_22 = tpu.memref_slice %arg5[%add3A_21, %dma_start3A] : memref<20480x128xf32, #tpu.memory_space<hbm>> -> memref<640x128xf32, #tpu.memory_space<hbm>>
      %dma_start3A_23 = arith.constant 0 : i32
      %dma_start3A_24 = tpu.memref_slice %arg10[%mul3A_16, %dma_start3A_23] : memref<10240x128xf32, #tpu.memory_space<vmem_shared>> -> memref<640x128xf32, #tpu.memory_space<vmem_shared>>
      tpu.enqueue_dma source(%dma_start3A_24 : memref<640x128xf32, #tpu.memory_space<vmem_shared>>) target(%dma_start3A_22 : memref<640x128xf32, #tpu.memory_space<hbm>>) target_semaphore(%run_scoped3A : memref<!tpu.dma_semaphore, #tpu.memory_space<semaphore_mem>>)
      %dma_wait3A = arith.constant 0 : i32
      %dma_wait3A_25 = tpu.memref_slice %arg5[%add3A_21, %dma_wait3A] : memref<20480x128xf32, #tpu.memory_space<hbm>> -> memref<640x128xf32, #tpu.memory_space<hbm>>
      %dma_wait3A_26 = arith.constant 0 : i32
      %dma_wait3A_27 = tpu.memref_slice %arg10[%mul3A_16, %dma_wait3A_26] : memref<10240x128xf32, #tpu.memory_space<vmem_shared>> -> memref<640x128xf32, #tpu.memory_space<vmem_shared>>
      tpu.wait_dma2 semaphore(%run_scoped3A : memref<!tpu.dma_semaphore, #tpu.memory_space<semaphore_mem>>) src(%dma_wait3A_27 : memref<640x128xf32, #tpu.memory_space<vmem_shared>>) dst(%dma_wait3A_25 : memref<640x128xf32, #tpu.memory_space<hbm>>)
      tpu.yield
    }) : () -> ()
    return
  }
}

#map = affine_map<(d0, d1) -> (0)>
#map1 = affine_map<(d0, d1) -> (0, 0)>
module attributes {stable_mosaic.version = 14 : i64} {
  func.func @_upass(%arg0: i32, %arg1: i32, %arg2: memref<10240xi32, #tpu.memory_space<hbm>>, %arg3: memref<10240xf32, #tpu.memory_space<hbm>>, %arg4: memref<665600xf32, #tpu.memory_space<hbm>>, %arg5: memref<2560x128xi32, #tpu.memory_space<hbm>>, %arg6: memref<2560x128xi32, #tpu.memory_space<hbm>>, %arg7: memref<1310720xf32, #tpu.memory_space<hbm>>, %arg8: memref<80x128xi32, #tpu.memory_space<vmem>>, %arg9: memref<80x128xi32, #tpu.memory_space<vmem>>, %arg10: memref<128xi32, #tpu.memory_space<vmem>>, %arg11: memref<128xf32, #tpu.memory_space<vmem>>, %arg12: memref<128xi32, #tpu.memory_space<vmem>>, %arg13: memref<128xi32, #tpu.memory_space<vmem>>, %arg14: memref<128xf32, #tpu.memory_space<vmem>>, %arg15: memref<128xi32, #tpu.memory_space<vmem>>, %arg16: memref<665600xf32, #tpu.memory_space<vmem_shared>>, %arg17: memref<10240xi32, #tpu.memory_space<vmem_shared>>, %arg18: memref<10240xf32, #tpu.memory_space<vmem_shared>>, %arg19: memref<!tpu.dma_semaphore, #tpu.memory_space<semaphore_mem>>, %arg20: memref<!tpu.dma_semaphore, #tpu.memory_space<semaphore_mem>>, %arg21: memref<!tpu.dma_semaphore, #tpu.memory_space<semaphore_mem>>, %arg22: memref<!tpu.dma_semaphore, #tpu.memory_space<semaphore_mem>>, %arg23: memref<!tpu.dma_semaphore, #tpu.memory_space<semaphore_mem>>, %arg24: memref<!tpu.dma_semaphore, #tpu.memory_space<semaphore_mem>>) attributes {dimension_semantics = [#tpu.dimension_semantics<core_parallel>, #tpu.dimension_semantics<subcore_parallel>], iteration_bounds = array<i64: 2, 16>, scalar_prefetch = 0 : i64, scratch_operands = 17 : i64, tpu.core_type = #tpu.core_type<sc_vector_subcore>, window_params = [{transform_indices = #map}, {transform_indices = #map}, {transform_indices = #map}, {transform_indices = #map1}, {transform_indices = #map1}, {transform_indices = #map}]} {
    %mul3A = arith.constant 16 : i32
    %mul3A_0 = arith.muli %arg0, %mul3A : i32
    %add3A = arith.addi %mul3A_0, %arg1 : i32
    %mul3A_1 = arith.constant 41600 : i32
    %mul3A_2 = arith.muli %arg1, %mul3A_1 : i32
    %mul3A_3 = arith.constant 41600 : i32
    %mul3A_4 = arith.muli %arg1, %mul3A_3 : i32
    "tpu.region"() ({
      %run_scoped3A = tpu.sem_alloc : memref<!tpu.dma_semaphore, #tpu.memory_space<semaphore_mem>>
      %dma_start3A_43 = tpu.memref_slice %arg16[%mul3A_4] : memref<665600xf32, #tpu.memory_space<vmem_shared>> -> memref<41600xf32, #tpu.memory_space<vmem_shared>>
      %dma_start3A_44 = tpu.memref_slice %arg4[%mul3A_2] : memref<665600xf32, #tpu.memory_space<hbm>> -> memref<41600xf32, #tpu.memory_space<hbm>>
      tpu.enqueue_dma source(%dma_start3A_44 : memref<41600xf32, #tpu.memory_space<hbm>>) target(%dma_start3A_43 : memref<41600xf32, #tpu.memory_space<vmem_shared>>) target_semaphore(%run_scoped3A : memref<!tpu.dma_semaphore, #tpu.memory_space<semaphore_mem>>)
      %dma_wait3A = tpu.memref_slice %arg16[%mul3A_4] : memref<665600xf32, #tpu.memory_space<vmem_shared>> -> memref<41600xf32, #tpu.memory_space<vmem_shared>>
      %dma_wait3A_45 = tpu.memref_slice %arg4[%mul3A_2] : memref<665600xf32, #tpu.memory_space<hbm>> -> memref<41600xf32, #tpu.memory_space<hbm>>
      tpu.wait_dma2 semaphore(%run_scoped3A : memref<!tpu.dma_semaphore, #tpu.memory_space<semaphore_mem>>) src(%dma_wait3A_45 : memref<41600xf32, #tpu.memory_space<hbm>>) dst(%dma_wait3A : memref<41600xf32, #tpu.memory_space<vmem_shared>>)
      tpu.yield
    }) : () -> ()
    %mul3A_5 = arith.constant 640 : i32
    %mul3A_6 = arith.muli %arg1, %mul3A_5 : i32
    %mul3A_7 = arith.constant 640 : i32
    %mul3A_8 = arith.muli %arg1, %mul3A_7 : i32
    "tpu.region"() ({
      %run_scoped3A = tpu.sem_alloc : memref<!tpu.dma_semaphore, #tpu.memory_space<semaphore_mem>>
      %dma_start3A_43 = tpu.memref_slice %arg17[%mul3A_8] : memref<10240xi32, #tpu.memory_space<vmem_shared>> -> memref<640xi32, #tpu.memory_space<vmem_shared>>
      %dma_start3A_44 = tpu.memref_slice %arg2[%mul3A_6] : memref<10240xi32, #tpu.memory_space<hbm>> -> memref<640xi32, #tpu.memory_space<hbm>>
      tpu.enqueue_dma source(%dma_start3A_44 : memref<640xi32, #tpu.memory_space<hbm>>) target(%dma_start3A_43 : memref<640xi32, #tpu.memory_space<vmem_shared>>) target_semaphore(%run_scoped3A : memref<!tpu.dma_semaphore, #tpu.memory_space<semaphore_mem>>)
      %dma_wait3A = tpu.memref_slice %arg17[%mul3A_8] : memref<10240xi32, #tpu.memory_space<vmem_shared>> -> memref<640xi32, #tpu.memory_space<vmem_shared>>
      %dma_wait3A_45 = tpu.memref_slice %arg2[%mul3A_6] : memref<10240xi32, #tpu.memory_space<hbm>> -> memref<640xi32, #tpu.memory_space<hbm>>
      tpu.wait_dma2 semaphore(%run_scoped3A : memref<!tpu.dma_semaphore, #tpu.memory_space<semaphore_mem>>) src(%dma_wait3A_45 : memref<640xi32, #tpu.memory_space<hbm>>) dst(%dma_wait3A : memref<640xi32, #tpu.memory_space<vmem_shared>>)
      tpu.yield
    }) : () -> ()
    %mul3A_9 = arith.constant 640 : i32
    %mul3A_10 = arith.muli %arg1, %mul3A_9 : i32
    %mul3A_11 = arith.constant 640 : i32
    %mul3A_12 = arith.muli %arg1, %mul3A_11 : i32
    "tpu.region"() ({
      %run_scoped3A = tpu.sem_alloc : memref<!tpu.dma_semaphore, #tpu.memory_space<semaphore_mem>>
      %dma_start3A_43 = tpu.memref_slice %arg18[%mul3A_12] : memref<10240xf32, #tpu.memory_space<vmem_shared>> -> memref<640xf32, #tpu.memory_space<vmem_shared>>
      %dma_start3A_44 = tpu.memref_slice %arg3[%mul3A_10] : memref<10240xf32, #tpu.memory_space<hbm>> -> memref<640xf32, #tpu.memory_space<hbm>>
      tpu.enqueue_dma source(%dma_start3A_44 : memref<640xf32, #tpu.memory_space<hbm>>) target(%dma_start3A_43 : memref<640xf32, #tpu.memory_space<vmem_shared>>) target_semaphore(%run_scoped3A : memref<!tpu.dma_semaphore, #tpu.memory_space<semaphore_mem>>)
      %dma_wait3A = tpu.memref_slice %arg18[%mul3A_12] : memref<10240xf32, #tpu.memory_space<vmem_shared>> -> memref<640xf32, #tpu.memory_space<vmem_shared>>
      %dma_wait3A_45 = tpu.memref_slice %arg3[%mul3A_10] : memref<10240xf32, #tpu.memory_space<hbm>> -> memref<640xf32, #tpu.memory_space<hbm>>
      tpu.wait_dma2 semaphore(%run_scoped3A : memref<!tpu.dma_semaphore, #tpu.memory_space<semaphore_mem>>) src(%dma_wait3A_45 : memref<640xf32, #tpu.memory_space<hbm>>) dst(%dma_wait3A : memref<640xf32, #tpu.memory_space<vmem_shared>>)
      tpu.yield
    }) : () -> ()
    %mul3A_13 = arith.constant 80 : i32
    %mul3A_14 = arith.muli %add3A, %mul3A_13 : i32
    "tpu.region"() ({
      %run_scoped3A = tpu.sem_alloc : memref<!tpu.dma_semaphore, #tpu.memory_space<semaphore_mem>>
      %dma_start3A_43 = arith.constant 0 : i32
      %dma_start3A_44 = tpu.memref_slice %arg6[%mul3A_14, %dma_start3A_43] : memref<2560x128xi32, #tpu.memory_space<hbm>> -> memref<80x128xi32, #tpu.memory_space<hbm>>
      %dma_start3A_45 = arith.constant 0 : i32
      %dma_start3A_46 = tpu.memref_slice %arg6[%mul3A_14, %dma_start3A_45] : memref<2560x128xi32, #tpu.memory_space<hbm>> -> memref<80x128xi32, #tpu.memory_space<hbm>>
      tpu.enqueue_dma source(%dma_start3A_46 : memref<80x128xi32, #tpu.memory_space<hbm>>) target(%arg8 : memref<80x128xi32, #tpu.memory_space<vmem>>) target_semaphore(%run_scoped3A : memref<!tpu.dma_semaphore, #tpu.memory_space<semaphore_mem>>)
      %dma_wait3A = arith.constant 0 : i32
      %dma_wait3A_47 = tpu.memref_slice %arg6[%mul3A_14, %dma_wait3A] : memref<2560x128xi32, #tpu.memory_space<hbm>> -> memref<80x128xi32, #tpu.memory_space<hbm>>
      %dma_wait3A_48 = arith.constant 0 : i32
      %dma_wait3A_49 = tpu.memref_slice %arg6[%mul3A_14, %dma_wait3A_48] : memref<2560x128xi32, #tpu.memory_space<hbm>> -> memref<80x128xi32, #tpu.memory_space<hbm>>
      tpu.wait_dma2 semaphore(%run_scoped3A : memref<!tpu.dma_semaphore, #tpu.memory_space<semaphore_mem>>) src(%dma_wait3A_49 : memref<80x128xi32, #tpu.memory_space<hbm>>) dst(%arg8 : memref<80x128xi32, #tpu.memory_space<vmem>>)
      tpu.yield
    }) : () -> ()
    %mul3A_15 = arith.constant 80 : i32
    %mul3A_16 = arith.muli %add3A, %mul3A_15 : i32
    "tpu.region"() ({
      %run_scoped3A = tpu.sem_alloc : memref<!tpu.dma_semaphore, #tpu.memory_space<semaphore_mem>>
      %dma_start3A_43 = arith.constant 0 : i32
      %dma_start3A_44 = tpu.memref_slice %arg5[%mul3A_16, %dma_start3A_43] : memref<2560x128xi32, #tpu.memory_space<hbm>> -> memref<80x128xi32, #tpu.memory_space<hbm>>
      %dma_start3A_45 = arith.constant 0 : i32
      %dma_start3A_46 = tpu.memref_slice %arg5[%mul3A_16, %dma_start3A_45] : memref<2560x128xi32, #tpu.memory_space<hbm>> -> memref<80x128xi32, #tpu.memory_space<hbm>>
      tpu.enqueue_dma source(%dma_start3A_46 : memref<80x128xi32, #tpu.memory_space<hbm>>) target(%arg9 : memref<80x128xi32, #tpu.memory_space<vmem>>) target_semaphore(%run_scoped3A : memref<!tpu.dma_semaphore, #tpu.memory_space<semaphore_mem>>)
      %dma_wait3A = arith.constant 0 : i32
      %dma_wait3A_47 = tpu.memref_slice %arg5[%mul3A_16, %dma_wait3A] : memref<2560x128xi32, #tpu.memory_space<hbm>> -> memref<80x128xi32, #tpu.memory_space<hbm>>
      %dma_wait3A_48 = arith.constant 0 : i32
      %dma_wait3A_49 = tpu.memref_slice %arg5[%mul3A_16, %dma_wait3A_48] : memref<2560x128xi32, #tpu.memory_space<hbm>> -> memref<80x128xi32, #tpu.memory_space<hbm>>
      tpu.wait_dma2 semaphore(%run_scoped3A : memref<!tpu.dma_semaphore, #tpu.memory_space<semaphore_mem>>) src(%dma_wait3A_49 : memref<80x128xi32, #tpu.memory_space<hbm>>) dst(%arg9 : memref<80x128xi32, #tpu.memory_space<vmem>>)
      tpu.yield
    }) : () -> ()
    %barrier3A = arith.constant 0 : index
    tpu.barrier barrier_id(%barrier3A)
    %dma_start3A = arith.constant 0 : i32
    %dma_start3A_17 = arith.constant 0 : i32
    %dma_start3A_18 = tpu.memref_slice %arg8[%dma_start3A, %dma_start3A_17] : memref<80x128xi32, #tpu.memory_space<vmem>> -> memref<1x128xi32, #tpu.memory_space<vmem>>
    %dma_start3A_19 = tpu.memref_squeeze %dma_start3A_18 : memref<1x128xi32, #tpu.memory_space<vmem>> -> memref<128xi32, #tpu.memory_space<vmem>>
    %dma_start3A_20 = arith.constant 0 : i32
    %dma_start3A_21 = tpu.memref_slice %arg17[%dma_start3A_20] : memref<10240xi32, #tpu.memory_space<vmem_shared>> -> memref<10240xi32, #tpu.memory_space<vmem_shared>>
    tpu.enqueue_indirect_dma source(%dma_start3A_21 : memref<10240xi32, #tpu.memory_space<vmem_shared>>) target(%arg10 : memref<128xi32, #tpu.memory_space<vmem>>) offsets(%dma_start3A_19 : memref<128xi32, #tpu.memory_space<vmem>>) semaphore(%arg19 : memref<!tpu.dma_semaphore, #tpu.memory_space<semaphore_mem>>)
    %dma_start3A_22 = arith.constant 0 : i32
    %dma_start3A_23 = arith.constant 0 : i32
    %dma_start3A_24 = tpu.memref_slice %arg8[%dma_start3A_22, %dma_start3A_23] : memref<80x128xi32, #tpu.memory_space<vmem>> -> memref<1x128xi32, #tpu.memory_space<vmem>>
    %dma_start3A_25 = tpu.memref_squeeze %dma_start3A_24 : memref<1x128xi32, #tpu.memory_space<vmem>> -> memref<128xi32, #tpu.memory_space<vmem>>
    %dma_start3A_26 = arith.constant 0 : i32
    %dma_start3A_27 = tpu.memref_slice %arg18[%dma_start3A_26] : memref<10240xf32, #tpu.memory_space<vmem_shared>> -> memref<10240xf32, #tpu.memory_space<vmem_shared>>
    tpu.enqueue_indirect_dma source(%dma_start3A_27 : memref<10240xf32, #tpu.memory_space<vmem_shared>>) target(%arg11 : memref<128xf32, #tpu.memory_space<vmem>>) offsets(%dma_start3A_25 : memref<128xi32, #tpu.memory_space<vmem>>) semaphore(%arg20 : memref<!tpu.dma_semaphore, #tpu.memory_space<semaphore_mem>>)
    %scan3A = arith.constant 0 : i32
    %scan3A_28 = arith.constant 0 : i32
    %scan3A_29 = arith.constant 40 : i32
    %scan3A_30 = arith.addi %scan3A_28, %scan3A_29 : i32
    %scan3A_31 = arith.constant 1 : i32
    scf.for %scan3A_43 = %scan3A_28 to %scan3A_30 step %scan3A_31  : i32 {
      %mul3A_44 = arith.constant 2 : i32
      %mul3A_45 = arith.muli %mul3A_44, %scan3A_43 : i32
      %add3A_46 = arith.constant 1 : i32
      %add3A_47 = arith.addi %mul3A_45, %add3A_46 : i32
      %dma_start3A_48 = arith.constant 0 : i32
      %dma_start3A_49 = tpu.memref_slice %arg8[%add3A_47, %dma_start3A_48] : memref<80x128xi32, #tpu.memory_space<vmem>> -> memref<1x128xi32, #tpu.memory_space<vmem>>
      %dma_start3A_50 = tpu.memref_squeeze %dma_start3A_49 : memref<1x128xi32, #tpu.memory_space<vmem>> -> memref<128xi32, #tpu.memory_space<vmem>>
      %dma_start3A_51 = arith.constant 0 : i32
      %dma_start3A_52 = tpu.memref_slice %arg17[%dma_start3A_51] : memref<10240xi32, #tpu.memory_space<vmem_shared>> -> memref<10240xi32, #tpu.memory_space<vmem_shared>>
      tpu.enqueue_indirect_dma source(%dma_start3A_52 : memref<10240xi32, #tpu.memory_space<vmem_shared>>) target(%arg13 : memref<128xi32, #tpu.memory_space<vmem>>) offsets(%dma_start3A_50 : memref<128xi32, #tpu.memory_space<vmem>>) semaphore(%arg21 : memref<!tpu.dma_semaphore, #tpu.memory_space<semaphore_mem>>)
      %dma_start3A_53 = arith.constant 0 : i32
      %dma_start3A_54 = tpu.memref_slice %arg8[%add3A_47, %dma_start3A_53] : memref<80x128xi32, #tpu.memory_space<vmem>> -> memref<1x128xi32, #tpu.memory_space<vmem>>
      %dma_start3A_55 = tpu.memref_squeeze %dma_start3A_54 : memref<1x128xi32, #tpu.memory_space<vmem>> -> memref<128xi32, #tpu.memory_space<vmem>>
      %dma_start3A_56 = arith.constant 0 : i32
      %dma_start3A_57 = tpu.memref_slice %arg18[%dma_start3A_56] : memref<10240xf32, #tpu.memory_space<vmem_shared>> -> memref<10240xf32, #tpu.memory_space<vmem_shared>>
      tpu.enqueue_indirect_dma source(%dma_start3A_57 : memref<10240xf32, #tpu.memory_space<vmem_shared>>) target(%arg14 : memref<128xf32, #tpu.memory_space<vmem>>) offsets(%dma_start3A_55 : memref<128xi32, #tpu.memory_space<vmem>>) semaphore(%arg22 : memref<!tpu.dma_semaphore, #tpu.memory_space<semaphore_mem>>)
      %dma_wait3A = arith.constant 0 : i32
      %dma_wait3A_58 = tpu.memref_slice %arg8[%mul3A_45, %dma_wait3A] : memref<80x128xi32, #tpu.memory_space<vmem>> -> memref<1x128xi32, #tpu.memory_space<vmem>>
      %dma_wait3A_59 = tpu.memref_squeeze %dma_wait3A_58 : memref<1x128xi32, #tpu.memory_space<vmem>> -> memref<128xi32, #tpu.memory_space<vmem>>
      %dma_wait3A_60 = arith.constant 0 : i32
      %dma_wait3A_61 = tpu.memref_slice %arg17[%dma_wait3A_60] : memref<10240xi32, #tpu.memory_space<vmem_shared>> -> memref<10240xi32, #tpu.memory_space<vmem_shared>>
      tpu.wait_indirect_dma semaphore(%arg19 : memref<!tpu.dma_semaphore, #tpu.memory_space<semaphore_mem>>) src(%dma_wait3A_61 : memref<10240xi32, #tpu.memory_space<vmem_shared>>) dst(%arg10 : memref<128xi32, #tpu.memory_space<vmem>>)
      %dma_wait3A_62 = arith.constant 0 : i32
      %dma_wait3A_63 = tpu.memref_slice %arg8[%mul3A_45, %dma_wait3A_62] : memref<80x128xi32, #tpu.memory_space<vmem>> -> memref<1x128xi32, #tpu.memory_space<vmem>>
      %dma_wait3A_64 = tpu.memref_squeeze %dma_wait3A_63 : memref<1x128xi32, #tpu.memory_space<vmem>> -> memref<128xi32, #tpu.memory_space<vmem>>
      %dma_wait3A_65 = arith.constant 0 : i32
      %dma_wait3A_66 = tpu.memref_slice %arg18[%dma_wait3A_65] : memref<10240xf32, #tpu.memory_space<vmem_shared>> -> memref<10240xf32, #tpu.memory_space<vmem_shared>>
      tpu.wait_indirect_dma semaphore(%arg20 : memref<!tpu.dma_semaphore, #tpu.memory_space<semaphore_mem>>) src(%dma_wait3A_66 : memref<10240xf32, #tpu.memory_space<vmem_shared>>) dst(%arg11 : memref<128xf32, #tpu.memory_space<vmem>>)
      %get3A = arith.constant 0 : index
      %get3A_67 = tpu.vector_load %arg10[%get3A] {strides = array<i32>} : memref<128xi32, #tpu.memory_space<vmem>>, vector<16xi32>,
      %get3A_68 = vector.shape_cast %get3A_67 : vector<16xi32> to vector<16xi32>
      %get3A_69 = arith.index_cast %mul3A_45 : i32 to index
      %get3A_70 = arith.constant 0 : index
      %get3A_71 = tpu.vector_load %arg9[%get3A_69, %get3A_70] {strides = array<i32>} : memref<80x128xi32, #tpu.memory_space<vmem>>, vector<1x16xi32>,
      %get3A_72 = vector.shape_cast %get3A_71 : vector<1x16xi32> to vector<16xi32>
      %add3A_73 = arith.addi %get3A_68, %get3A_72 : vector<16xi32>
      %swap3A = arith.constant 0 : index
      %swap3A_74 = tpu.vector_load %arg12[%swap3A] {strides = array<i32>} : memref<128xi32, #tpu.memory_space<vmem>>, vector<16xi32>,
      %swap3A_75 = vector.shape_cast %swap3A_74 : vector<16xi32> to vector<16xi32>
      %swap3A_76 = vector.shape_cast %add3A_73 : vector<16xi32> to vector<16xi32>
      tpu.vector_store %arg12[%swap3A], %swap3A_76 {strides = array<i32>} : memref<128xi32, #tpu.memory_space<vmem>>, vector<16xi32>,
      %get3A_77 = arith.constant 16 : index
      %get3A_78 = tpu.vector_load %arg10[%get3A_77] {strides = array<i32>} : memref<128xi32, #tpu.memory_space<vmem>>, vector<16xi32>,
      %get3A_79 = vector.shape_cast %get3A_78 : vector<16xi32> to vector<16xi32>
      %get3A_80 = arith.index_cast %mul3A_45 : i32 to index
      %get3A_81 = arith.constant 16 : index
      %get3A_82 = tpu.vector_load %arg9[%get3A_80, %get3A_81] {strides = array<i32>} : memref<80x128xi32, #tpu.memory_space<vmem>>, vector<1x16xi32>,
      %get3A_83 = vector.shape_cast %get3A_82 : vector<1x16xi32> to vector<16xi32>
      %add3A_84 = arith.addi %get3A_79, %get3A_83 : vector<16xi32>
      %swap3A_85 = arith.constant 16 : index
      %swap3A_86 = tpu.vector_load %arg12[%swap3A_85] {strides = array<i32>} : memref<128xi32, #tpu.memory_space<vmem>>, vector<16xi32>,
      %swap3A_87 = vector.shape_cast %swap3A_86 : vector<16xi32> to vector<16xi32>
      %swap3A_88 = vector.shape_cast %add3A_84 : vector<16xi32> to vector<16xi32>
      tpu.vector_store %arg12[%swap3A_85], %swap3A_88 {strides = array<i32>} : memref<128xi32, #tpu.memory_space<vmem>>, vector<16xi32>,
      %get3A_89 = arith.constant 32 : index
      %get3A_90 = tpu.vector_load %arg10[%get3A_89] {strides = array<i32>} : memref<128xi32, #tpu.memory_space<vmem>>, vector<16xi32>,
      %get3A_91 = vector.shape_cast %get3A_90 : vector<16xi32> to vector<16xi32>
      %get3A_92 = arith.index_cast %mul3A_45 : i32 to index
      %get3A_93 = arith.constant 32 : index
      %get3A_94 = tpu.vector_load %arg9[%get3A_92, %get3A_93] {strides = array<i32>} : memref<80x128xi32, #tpu.memory_space<vmem>>, vector<1x16xi32>,
      %get3A_95 = vector.shape_cast %get3A_94 : vector<1x16xi32> to vector<16xi32>
      %add3A_96 = arith.addi %get3A_91, %get3A_95 : vector<16xi32>
      %swap3A_97 = arith.constant 32 : index
      %swap3A_98 = tpu.vector_load %arg12[%swap3A_97] {strides = array<i32>} : memref<128xi32, #tpu.memory_space<vmem>>, vector<16xi32>,
      %swap3A_99 = vector.shape_cast %swap3A_98 : vector<16xi32> to vector<16xi32>
      %swap3A_100 = vector.shape_cast %add3A_96 : vector<16xi32> to vector<16xi32>
      tpu.vector_store %arg12[%swap3A_97], %swap3A_100 {strides = array<i32>} : memref<128xi32, #tpu.memory_space<vmem>>, vector<16xi32>,
      %get3A_101 = arith.constant 48 : index
      %get3A_102 = tpu.vector_load %arg10[%get3A_101] {strides = array<i32>} : memref<128xi32, #tpu.memory_space<vmem>>, vector<16xi32>,
      %get3A_103 = vector.shape_cast %get3A_102 : vector<16xi32> to vector<16xi32>
      %get3A_104 = arith.index_cast %mul3A_45 : i32 to index
      %get3A_105 = arith.constant 48 : index
      %get3A_106 = tpu.vector_load %arg9[%get3A_104, %get3A_105] {strides = array<i32>} : memref<80x128xi32, #tpu.memory_space<vmem>>, vector<1x16xi32>,
      %get3A_107 = vector.shape_cast %get3A_106 : vector<1x16xi32> to vector<16xi32>
      %add3A_108 = arith.addi %get3A_103, %get3A_107 : vector<16xi32>
      %swap3A_109 = arith.constant 48 : index
      %swap3A_110 = tpu.vector_load %arg12[%swap3A_109] {strides = array<i32>} : memref<128xi32, #tpu.memory_space<vmem>>, vector<16xi32>,
      %swap3A_111 = vector.shape_cast %swap3A_110 : vector<16xi32> to vector<16xi32>
      %swap3A_112 = vector.shape_cast %add3A_108 : vector<16xi32> to vector<16xi32>
      tpu.vector_store %arg12[%swap3A_109], %swap3A_112 {strides = array<i32>} : memref<128xi32, #tpu.memory_space<vmem>>, vector<16xi32>,
      %get3A_113 = arith.constant 64 : index
      %get3A_114 = tpu.vector_load %arg10[%get3A_113] {strides = array<i32>} : memref<128xi32, #tpu.memory_space<vmem>>, vector<16xi32>,
      %get3A_115 = vector.shape_cast %get3A_114 : vector<16xi32> to vector<16xi32>
      %get3A_116 = arith.index_cast %mul3A_45 : i32 to index
      %get3A_117 = arith.constant 64 : index
      %get3A_118 = tpu.vector_load %arg9[%get3A_116, %get3A_117] {strides = array<i32>} : memref<80x128xi32, #tpu.memory_space<vmem>>, vector<1x16xi32>,
      %get3A_119 = vector.shape_cast %get3A_118 : vector<1x16xi32> to vector<16xi32>
      %add3A_120 = arith.addi %get3A_115, %get3A_119 : vector<16xi32>
      %swap3A_121 = arith.constant 64 : index
      %swap3A_122 = tpu.vector_load %arg12[%swap3A_121] {strides = array<i32>} : memref<128xi32, #tpu.memory_space<vmem>>, vector<16xi32>,
      %swap3A_123 = vector.shape_cast %swap3A_122 : vector<16xi32> to vector<16xi32>
      %swap3A_124 = vector.shape_cast %add3A_120 : vector<16xi32> to vector<16xi32>
      tpu.vector_store %arg12[%swap3A_121], %swap3A_124 {strides = array<i32>} : memref<128xi32, #tpu.memory_space<vmem>>, vector<16xi32>,
      %get3A_125 = arith.constant 80 : index
      %get3A_126 = tpu.vector_load %arg10[%get3A_125] {strides = array<i32>} : memref<128xi32, #tpu.memory_space<vmem>>, vector<16xi32>,
      %get3A_127 = vector.shape_cast %get3A_126 : vector<16xi32> to vector<16xi32>
      %get3A_128 = arith.index_cast %mul3A_45 : i32 to index
      %get3A_129 = arith.constant 80 : index
      %get3A_130 = tpu.vector_load %arg9[%get3A_128, %get3A_129] {strides = array<i32>} : memref<80x128xi32, #tpu.memory_space<vmem>>, vector<1x16xi32>,
      %get3A_131 = vector.shape_cast %get3A_130 : vector<1x16xi32> to vector<16xi32>
      %add3A_132 = arith.addi %get3A_127, %get3A_131 : vector<16xi32>
      %swap3A_133 = arith.constant 80 : index
      %swap3A_134 = tpu.vector_load %arg12[%swap3A_133] {strides = array<i32>} : memref<128xi32, #tpu.memory_space<vmem>>, vector<16xi32>,
      %swap3A_135 = vector.shape_cast %swap3A_134 : vector<16xi32> to vector<16xi32>
      %swap3A_136 = vector.shape_cast %add3A_132 : vector<16xi32> to vector<16xi32>
      tpu.vector_store %arg12[%swap3A_133], %swap3A_136 {strides = array<i32>} : memref<128xi32, #tpu.memory_space<vmem>>, vector<16xi32>,
      %get3A_137 = arith.constant 96 : index
      %get3A_138 = tpu.vector_load %arg10[%get3A_137] {strides = array<i32>} : memref<128xi32, #tpu.memory_space<vmem>>, vector<16xi32>,
      %get3A_139 = vector.shape_cast %get3A_138 : vector<16xi32> to vector<16xi32>
      %get3A_140 = arith.index_cast %mul3A_45 : i32 to index
      %get3A_141 = arith.constant 96 : index
      %get3A_142 = tpu.vector_load %arg9[%get3A_140, %get3A_141] {strides = array<i32>} : memref<80x128xi32, #tpu.memory_space<vmem>>, vector<1x16xi32>,
      %get3A_143 = vector.shape_cast %get3A_142 : vector<1x16xi32> to vector<16xi32>
      %add3A_144 = arith.addi %get3A_139, %get3A_143 : vector<16xi32>
      %swap3A_145 = arith.constant 96 : index
      %swap3A_146 = tpu.vector_load %arg12[%swap3A_145] {strides = array<i32>} : memref<128xi32, #tpu.memory_space<vmem>>, vector<16xi32>,
      %swap3A_147 = vector.shape_cast %swap3A_146 : vector<16xi32> to vector<16xi32>
      %swap3A_148 = vector.shape_cast %add3A_144 : vector<16xi32> to vector<16xi32>
      tpu.vector_store %arg12[%swap3A_145], %swap3A_148 {strides = array<i32>} : memref<128xi32, #tpu.memory_space<vmem>>, vector<16xi32>,
      %get3A_149 = arith.constant 112 : index
      %get3A_150 = tpu.vector_load %arg10[%get3A_149] {strides = array<i32>} : memref<128xi32, #tpu.memory_space<vmem>>, vector<16xi32>,
      %get3A_151 = vector.shape_cast %get3A_150 : vector<16xi32> to vector<16xi32>
      %get3A_152 = arith.index_cast %mul3A_45 : i32 to index
      %get3A_153 = arith.constant 112 : index
      %get3A_154 = tpu.vector_load %arg9[%get3A_152, %get3A_153] {strides = array<i32>} : memref<80x128xi32, #tpu.memory_space<vmem>>, vector<1x16xi32>,
      %get3A_155 = vector.shape_cast %get3A_154 : vector<1x16xi32> to vector<16xi32>
      %add3A_156 = arith.addi %get3A_151, %get3A_155 : vector<16xi32>
      %swap3A_157 = arith.constant 112 : index
      %swap3A_158 = tpu.vector_load %arg12[%swap3A_157] {strides = array<i32>} : memref<128xi32, #tpu.memory_space<vmem>>, vector<16xi32>,
      %swap3A_159 = vector.shape_cast %swap3A_158 : vector<16xi32> to vector<16xi32>
      %swap3A_160 = vector.shape_cast %add3A_156 : vector<16xi32> to vector<16xi32>
      tpu.vector_store %arg12[%swap3A_157], %swap3A_160 {strides = array<i32>} : memref<128xi32, #tpu.memory_space<vmem>>, vector<16xi32>,
      %dma_start3A_161 = arith.constant 0 : i32
      %dma_start3A_162 = tpu.memref_slice %arg16[%dma_start3A_161] : memref<665600xf32, #tpu.memory_space<vmem_shared>> -> memref<665600xf32, #tpu.memory_space<vmem_shared>>
      tpu.enqueue_indirect_dma source(%arg11 : memref<128xf32, #tpu.memory_space<vmem>>) target(%dma_start3A_162 : memref<665600xf32, #tpu.memory_space<vmem_shared>>) offsets(%arg12 : memref<128xi32, #tpu.memory_space<vmem>>) semaphore(%arg23 : memref<!tpu.dma_semaphore, #tpu.memory_space<semaphore_mem>>) {add = true}
      %dma_wait3A_163 = arith.constant 0 : i32
      %dma_wait3A_164 = tpu.memref_slice %arg16[%dma_wait3A_163] : memref<665600xf32, #tpu.memory_space<vmem_shared>> -> memref<665600xf32, #tpu.memory_space<vmem_shared>>
      tpu.wait_indirect_dma semaphore(%arg23 : memref<!tpu.dma_semaphore, #tpu.memory_space<semaphore_mem>>) src(%arg11 : memref<128xf32, #tpu.memory_space<vmem>>) dst(%dma_wait3A_164 : memref<665600xf32, #tpu.memory_space<vmem_shared>>)
      %lt3A = arith.constant 39 : i32
      %lt3A_165 = arith.cmpi slt, %scan3A_43, %lt3A : i32
      %convert_element_type3A = arith.extui %lt3A_165 : i1 to i32
      %cond3A = arith.constant 0 : i32
      %cond3A_166 = arith.cmpi ne, %convert_element_type3A, %cond3A : i32
      scf.if %cond3A_166 {
        %add3A_277 = arith.constant 2 : i32
        %add3A_278 = arith.addi %mul3A_45, %add3A_277 : i32
        %dma_start3A_279 = arith.constant 0 : i32
        %dma_start3A_280 = tpu.memref_slice %arg8[%add3A_278, %dma_start3A_279] : memref<80x128xi32, #tpu.memory_space<vmem>> -> memref<1x128xi32, #tpu.memory_space<vmem>>
        %dma_start3A_281 = tpu.memref_squeeze %dma_start3A_280 : memref<1x128xi32, #tpu.memory_space<vmem>> -> memref<128xi32, #tpu.memory_space<vmem>>
        %dma_start3A_282 = arith.constant 0 : i32
        %dma_start3A_283 = tpu.memref_slice %arg17[%dma_start3A_282] : memref<10240xi32, #tpu.memory_space<vmem_shared>> -> memref<10240xi32, #tpu.memory_space<vmem_shared>>
        tpu.enqueue_indirect_dma source(%dma_start3A_283 : memref<10240xi32, #tpu.memory_space<vmem_shared>>) target(%arg10 : memref<128xi32, #tpu.memory_space<vmem>>) offsets(%dma_start3A_281 : memref<128xi32, #tpu.memory_space<vmem>>) semaphore(%arg19 : memref<!tpu.dma_semaphore, #tpu.memory_space<semaphore_mem>>)
        %add3A_284 = arith.constant 2 : i32
        %add3A_285 = arith.addi %mul3A_45, %add3A_284 : i32
        %dma_start3A_286 = arith.constant 0 : i32
        %dma_start3A_287 = tpu.memref_slice %arg8[%add3A_285, %dma_start3A_286] : memref<80x128xi32, #tpu.memory_space<vmem>> -> memref<1x128xi32, #tpu.memory_space<vmem>>
        %dma_start3A_288 = tpu.memref_squeeze %dma_start3A_287 : memref<1x128xi32, #tpu.memory_space<vmem>> -> memref<128xi32, #tpu.memory_space<vmem>>
        %dma_start3A_289 = arith.constant 0 : i32
        %dma_start3A_290 = tpu.memref_slice %arg18[%dma_start3A_289] : memref<10240xf32, #tpu.memory_space<vmem_shared>> -> memref<10240xf32, #tpu.memory_space<vmem_shared>>
        tpu.enqueue_indirect_dma source(%dma_start3A_290 : memref<10240xf32, #tpu.memory_space<vmem_shared>>) target(%arg11 : memref<128xf32, #tpu.memory_space<vmem>>) offsets(%dma_start3A_288 : memref<128xi32, #tpu.memory_space<vmem>>) semaphore(%arg20 : memref<!tpu.dma_semaphore, #tpu.memory_space<semaphore_mem>>)
      } else {
      }
      %dma_wait3A_167 = arith.constant 0 : i32
      %dma_wait3A_168 = tpu.memref_slice %arg8[%add3A_47, %dma_wait3A_167] : memref<80x128xi32, #tpu.memory_space<vmem>> -> memref<1x128xi32, #tpu.memory_space<vmem>>
      %dma_wait3A_169 = tpu.memref_squeeze %dma_wait3A_168 : memref<1x128xi32, #tpu.memory_space<vmem>> -> memref<128xi32, #tpu.memory_space<vmem>>
      %dma_wait3A_170 = arith.constant 0 : i32
      %dma_wait3A_171 = tpu.memref_slice %arg17[%dma_wait3A_170] : memref<10240xi32, #tpu.memory_space<vmem_shared>> -> memref<10240xi32, #tpu.memory_space<vmem_shared>>
      tpu.wait_indirect_dma semaphore(%arg21 : memref<!tpu.dma_semaphore, #tpu.memory_space<semaphore_mem>>) src(%dma_wait3A_171 : memref<10240xi32, #tpu.memory_space<vmem_shared>>) dst(%arg13 : memref<128xi32, #tpu.memory_space<vmem>>)
      %dma_wait3A_172 = arith.constant 0 : i32
      %dma_wait3A_173 = tpu.memref_slice %arg8[%add3A_47, %dma_wait3A_172] : memref<80x128xi32, #tpu.memory_space<vmem>> -> memref<1x128xi32, #tpu.memory_space<vmem>>
      %dma_wait3A_174 = tpu.memref_squeeze %dma_wait3A_173 : memref<1x128xi32, #tpu.memory_space<vmem>> -> memref<128xi32, #tpu.memory_space<vmem>>
      %dma_wait3A_175 = arith.constant 0 : i32
      %dma_wait3A_176 = tpu.memref_slice %arg18[%dma_wait3A_175] : memref<10240xf32, #tpu.memory_space<vmem_shared>> -> memref<10240xf32, #tpu.memory_space<vmem_shared>>
      tpu.wait_indirect_dma semaphore(%arg22 : memref<!tpu.dma_semaphore, #tpu.memory_space<semaphore_mem>>) src(%dma_wait3A_176 : memref<10240xf32, #tpu.memory_space<vmem_shared>>) dst(%arg14 : memref<128xf32, #tpu.memory_space<vmem>>)
      %get3A_177 = arith.constant 0 : index
      %get3A_178 = tpu.vector_load %arg13[%get3A_177] {strides = array<i32>} : memref<128xi32, #tpu.memory_space<vmem>>, vector<16xi32>,
      %get3A_179 = vector.shape_cast %get3A_178 : vector<16xi32> to vector<16xi32>
      %get3A_180 = arith.index_cast %add3A_47 : i32 to index
      %get3A_181 = arith.constant 0 : index
      %get3A_182 = tpu.vector_load %arg9[%get3A_180, %get3A_181] {strides = array<i32>} : memref<80x128xi32, #tpu.memory_space<vmem>>, vector<1x16xi32>,
      %get3A_183 = vector.shape_cast %get3A_182 : vector<1x16xi32> to vector<16xi32>
      %add3A_184 = arith.addi %get3A_179, %get3A_183 : vector<16xi32>
      %swap3A_185 = arith.constant 0 : index
      %swap3A_186 = tpu.vector_load %arg15[%swap3A_185] {strides = array<i32>} : memref<128xi32, #tpu.memory_space<vmem>>, vector<16xi32>,
      %swap3A_187 = vector.shape_cast %swap3A_186 : vector<16xi32> to vector<16xi32>
      %swap3A_188 = vector.shape_cast %add3A_184 : vector<16xi32> to vector<16xi32>
      tpu.vector_store %arg15[%swap3A_185], %swap3A_188 {strides = array<i32>} : memref<128xi32, #tpu.memory_space<vmem>>, vector<16xi32>,
      %get3A_189 = arith.constant 16 : index
      %get3A_190 = tpu.vector_load %arg13[%get3A_189] {strides = array<i32>} : memref<128xi32, #tpu.memory_space<vmem>>, vector<16xi32>,
      %get3A_191 = vector.shape_cast %get3A_190 : vector<16xi32> to vector<16xi32>
      %get3A_192 = arith.index_cast %add3A_47 : i32 to index
      %get3A_193 = arith.constant 16 : index
      %get3A_194 = tpu.vector_load %arg9[%get3A_192, %get3A_193] {strides = array<i32>} : memref<80x128xi32, #tpu.memory_space<vmem>>, vector<1x16xi32>,
      %get3A_195 = vector.shape_cast %get3A_194 : vector<1x16xi32> to vector<16xi32>
      %add3A_196 = arith.addi %get3A_191, %get3A_195 : vector<16xi32>
      %swap3A_197 = arith.constant 16 : index
      %swap3A_198 = tpu.vector_load %arg15[%swap3A_197] {strides = array<i32>} : memref<128xi32, #tpu.memory_space<vmem>>, vector<16xi32>,
      %swap3A_199 = vector.shape_cast %swap3A_198 : vector<16xi32> to vector<16xi32>
      %swap3A_200 = vector.shape_cast %add3A_196 : vector<16xi32> to vector<16xi32>
      tpu.vector_store %arg15[%swap3A_197], %swap3A_200 {strides = array<i32>} : memref<128xi32, #tpu.memory_space<vmem>>, vector<16xi32>,
      %get3A_201 = arith.constant 32 : index
      %get3A_202 = tpu.vector_load %arg13[%get3A_201] {strides = array<i32>} : memref<128xi32, #tpu.memory_space<vmem>>, vector<16xi32>,
      %get3A_203 = vector.shape_cast %get3A_202 : vector<16xi32> to vector<16xi32>
      %get3A_204 = arith.index_cast %add3A_47 : i32 to index
      %get3A_205 = arith.constant 32 : index
      %get3A_206 = tpu.vector_load %arg9[%get3A_204, %get3A_205] {strides = array<i32>} : memref<80x128xi32, #tpu.memory_space<vmem>>, vector<1x16xi32>,
      %get3A_207 = vector.shape_cast %get3A_206 : vector<1x16xi32> to vector<16xi32>
      %add3A_208 = arith.addi %get3A_203, %get3A_207 : vector<16xi32>
      %swap3A_209 = arith.constant 32 : index
      %swap3A_210 = tpu.vector_load %arg15[%swap3A_209] {strides = array<i32>} : memref<128xi32, #tpu.memory_space<vmem>>, vector<16xi32>,
      %swap3A_211 = vector.shape_cast %swap3A_210 : vector<16xi32> to vector<16xi32>
      %swap3A_212 = vector.shape_cast %add3A_208 : vector<16xi32> to vector<16xi32>
      tpu.vector_store %arg15[%swap3A_209], %swap3A_212 {strides = array<i32>} : memref<128xi32, #tpu.memory_space<vmem>>, vector<16xi32>,
      %get3A_213 = arith.constant 48 : index
      %get3A_214 = tpu.vector_load %arg13[%get3A_213] {strides = array<i32>} : memref<128xi32, #tpu.memory_space<vmem>>, vector<16xi32>,
      %get3A_215 = vector.shape_cast %get3A_214 : vector<16xi32> to vector<16xi32>
      %get3A_216 = arith.index_cast %add3A_47 : i32 to index
      %get3A_217 = arith.constant 48 : index
      %get3A_218 = tpu.vector_load %arg9[%get3A_216, %get3A_217] {strides = array<i32>} : memref<80x128xi32, #tpu.memory_space<vmem>>, vector<1x16xi32>,
      %get3A_219 = vector.shape_cast %get3A_218 : vector<1x16xi32> to vector<16xi32>
      %add3A_220 = arith.addi %get3A_215, %get3A_219 : vector<16xi32>
      %swap3A_221 = arith.constant 48 : index
      %swap3A_222 = tpu.vector_load %arg15[%swap3A_221] {strides = array<i32>} : memref<128xi32, #tpu.memory_space<vmem>>, vector<16xi32>,
      %swap3A_223 = vector.shape_cast %swap3A_222 : vector<16xi32> to vector<16xi32>
      %swap3A_224 = vector.shape_cast %add3A_220 : vector<16xi32> to vector<16xi32>
      tpu.vector_store %arg15[%swap3A_221], %swap3A_224 {strides = array<i32>} : memref<128xi32, #tpu.memory_space<vmem>>, vector<16xi32>,
      %get3A_225 = arith.constant 64 : index
      %get3A_226 = tpu.vector_load %arg13[%get3A_225] {strides = array<i32>} : memref<128xi32, #tpu.memory_space<vmem>>, vector<16xi32>,
      %get3A_227 = vector.shape_cast %get3A_226 : vector<16xi32> to vector<16xi32>
      %get3A_228 = arith.index_cast %add3A_47 : i32 to index
      %get3A_229 = arith.constant 64 : index
      %get3A_230 = tpu.vector_load %arg9[%get3A_228, %get3A_229] {strides = array<i32>} : memref<80x128xi32, #tpu.memory_space<vmem>>, vector<1x16xi32>,
      %get3A_231 = vector.shape_cast %get3A_230 : vector<1x16xi32> to vector<16xi32>
      %add3A_232 = arith.addi %get3A_227, %get3A_231 : vector<16xi32>
      %swap3A_233 = arith.constant 64 : index
      %swap3A_234 = tpu.vector_load %arg15[%swap3A_233] {strides = array<i32>} : memref<128xi32, #tpu.memory_space<vmem>>, vector<16xi32>,
      %swap3A_235 = vector.shape_cast %swap3A_234 : vector<16xi32> to vector<16xi32>
      %swap3A_236 = vector.shape_cast %add3A_232 : vector<16xi32> to vector<16xi32>
      tpu.vector_store %arg15[%swap3A_233], %swap3A_236 {strides = array<i32>} : memref<128xi32, #tpu.memory_space<vmem>>, vector<16xi32>,
      %get3A_237 = arith.constant 80 : index
      %get3A_238 = tpu.vector_load %arg13[%get3A_237] {strides = array<i32>} : memref<128xi32, #tpu.memory_space<vmem>>, vector<16xi32>,
      %get3A_239 = vector.shape_cast %get3A_238 : vector<16xi32> to vector<16xi32>
      %get3A_240 = arith.index_cast %add3A_47 : i32 to index
      %get3A_241 = arith.constant 80 : index
      %get3A_242 = tpu.vector_load %arg9[%get3A_240, %get3A_241] {strides = array<i32>} : memref<80x128xi32, #tpu.memory_space<vmem>>, vector<1x16xi32>,
      %get3A_243 = vector.shape_cast %get3A_242 : vector<1x16xi32> to vector<16xi32>
      %add3A_244 = arith.addi %get3A_239, %get3A_243 : vector<16xi32>
      %swap3A_245 = arith.constant 80 : index
      %swap3A_246 = tpu.vector_load %arg15[%swap3A_245] {strides = array<i32>} : memref<128xi32, #tpu.memory_space<vmem>>, vector<16xi32>,
      %swap3A_247 = vector.shape_cast %swap3A_246 : vector<16xi32> to vector<16xi32>
      %swap3A_248 = vector.shape_cast %add3A_244 : vector<16xi32> to vector<16xi32>
      tpu.vector_store %arg15[%swap3A_245], %swap3A_248 {strides = array<i32>} : memref<128xi32, #tpu.memory_space<vmem>>, vector<16xi32>,
      %get3A_249 = arith.constant 96 : index
      %get3A_250 = tpu.vector_load %arg13[%get3A_249] {strides = array<i32>} : memref<128xi32, #tpu.memory_space<vmem>>, vector<16xi32>,
      %get3A_251 = vector.shape_cast %get3A_250 : vector<16xi32> to vector<16xi32>
      %get3A_252 = arith.index_cast %add3A_47 : i32 to index
      %get3A_253 = arith.constant 96 : index
      %get3A_254 = tpu.vector_load %arg9[%get3A_252, %get3A_253] {strides = array<i32>} : memref<80x128xi32, #tpu.memory_space<vmem>>, vector<1x16xi32>,
      %get3A_255 = vector.shape_cast %get3A_254 : vector<1x16xi32> to vector<16xi32>
      %add3A_256 = arith.addi %get3A_251, %get3A_255 : vector<16xi32>
      %swap3A_257 = arith.constant 96 : index
      %swap3A_258 = tpu.vector_load %arg15[%swap3A_257] {strides = array<i32>} : memref<128xi32, #tpu.memory_space<vmem>>, vector<16xi32>,
      %swap3A_259 = vector.shape_cast %swap3A_258 : vector<16xi32> to vector<16xi32>
      %swap3A_260 = vector.shape_cast %add3A_256 : vector<16xi32> to vector<16xi32>
      tpu.vector_store %arg15[%swap3A_257], %swap3A_260 {strides = array<i32>} : memref<128xi32, #tpu.memory_space<vmem>>, vector<16xi32>,
      %get3A_261 = arith.constant 112 : index
      %get3A_262 = tpu.vector_load %arg13[%get3A_261] {strides = array<i32>} : memref<128xi32, #tpu.memory_space<vmem>>, vector<16xi32>,
      %get3A_263 = vector.shape_cast %get3A_262 : vector<16xi32> to vector<16xi32>
      %get3A_264 = arith.index_cast %add3A_47 : i32 to index
      %get3A_265 = arith.constant 112 : index
      %get3A_266 = tpu.vector_load %arg9[%get3A_264, %get3A_265] {strides = array<i32>} : memref<80x128xi32, #tpu.memory_space<vmem>>, vector<1x16xi32>,
      %get3A_267 = vector.shape_cast %get3A_266 : vector<1x16xi32> to vector<16xi32>
      %add3A_268 = arith.addi %get3A_263, %get3A_267 : vector<16xi32>
      %swap3A_269 = arith.constant 112 : index
      %swap3A_270 = tpu.vector_load %arg15[%swap3A_269] {strides = array<i32>} : memref<128xi32, #tpu.memory_space<vmem>>, vector<16xi32>,
      %swap3A_271 = vector.shape_cast %swap3A_270 : vector<16xi32> to vector<16xi32>
      %swap3A_272 = vector.shape_cast %add3A_268 : vector<16xi32> to vector<16xi32>
      tpu.vector_store %arg15[%swap3A_269], %swap3A_272 {strides = array<i32>} : memref<128xi32, #tpu.memory_space<vmem>>, vector<16xi32>,
      %dma_start3A_273 = arith.constant 0 : i32
      %dma_start3A_274 = tpu.memref_slice %arg16[%dma_start3A_273] : memref<665600xf32, #tpu.memory_space<vmem_shared>> -> memref<665600xf32, #tpu.memory_space<vmem_shared>>
      tpu.enqueue_indirect_dma source(%arg14 : memref<128xf32, #tpu.memory_space<vmem>>) target(%dma_start3A_274 : memref<665600xf32, #tpu.memory_space<vmem_shared>>) offsets(%arg15 : memref<128xi32, #tpu.memory_space<vmem>>) semaphore(%arg24 : memref<!tpu.dma_semaphore, #tpu.memory_space<semaphore_mem>>) {add = true}
      %dma_wait3A_275 = arith.constant 0 : i32
      %dma_wait3A_276 = tpu.memref_slice %arg16[%dma_wait3A_275] : memref<665600xf32, #tpu.memory_space<vmem_shared>> -> memref<665600xf32, #tpu.memory_space<vmem_shared>>
      tpu.wait_indirect_dma semaphore(%arg24 : memref<!tpu.dma_semaphore, #tpu.memory_space<semaphore_mem>>) src(%arg14 : memref<128xf32, #tpu.memory_space<vmem>>) dst(%dma_wait3A_276 : memref<665600xf32, #tpu.memory_space<vmem_shared>>)
    }
    %scan3A_32 = arith.constant 40 : i32
    %barrier3A_33 = arith.constant 0 : index
    tpu.barrier barrier_id(%barrier3A_33)
    %mul3A_34 = arith.constant 40960 : i32
    %mul3A_35 = arith.muli %arg1, %mul3A_34 : i32
    %mul3A_36 = arith.constant 64 : i32
    %mul3A_37 = arith.muli %arg0, %mul3A_36 : i32
    %mul3A_38 = arith.constant 10240 : i32
    %mul3A_39 = arith.muli %mul3A_37, %mul3A_38 : i32
    %mul3A_40 = arith.constant 40960 : i32
    %mul3A_41 = arith.muli %arg1, %mul3A_40 : i32
    %add3A_42 = arith.addi %mul3A_39, %mul3A_41 : i32
    "tpu.region"() ({
      %run_scoped3A = tpu.sem_alloc : memref<!tpu.dma_semaphore, #tpu.memory_space<semaphore_mem>>
      %dma_start3A_43 = tpu.memref_slice %arg7[%add3A_42] : memref<1310720xf32, #tpu.memory_space<hbm>> -> memref<40960xf32, #tpu.memory_space<hbm>>
      %dma_start3A_44 = tpu.memref_slice %arg16[%mul3A_35] : memref<665600xf32, #tpu.memory_space<vmem_shared>> -> memref<40960xf32, #tpu.memory_space<vmem_shared>>
      tpu.enqueue_dma source(%dma_start3A_44 : memref<40960xf32, #tpu.memory_space<vmem_shared>>) target(%dma_start3A_43 : memref<40960xf32, #tpu.memory_space<hbm>>) target_semaphore(%run_scoped3A : memref<!tpu.dma_semaphore, #tpu.memory_space<semaphore_mem>>)
      %dma_wait3A = tpu.memref_slice %arg7[%add3A_42] : memref<1310720xf32, #tpu.memory_space<hbm>> -> memref<40960xf32, #tpu.memory_space<hbm>>
      %dma_wait3A_45 = tpu.memref_slice %arg16[%mul3A_35] : memref<665600xf32, #tpu.memory_space<vmem_shared>> -> memref<40960xf32, #tpu.memory_space<vmem_shared>>
      tpu.wait_dma2 semaphore(%run_scoped3A : memref<!tpu.dma_semaphore, #tpu.memory_space<semaphore_mem>>) src(%dma_wait3A_45 : memref<40960xf32, #tpu.memory_space<vmem_shared>>) dst(%dma_wait3A : memref<40960xf32, #tpu.memory_space<hbm>>)
      tpu.yield
    }) : () -> ()
    return
  }
}

module attributes {stable_mosaic.version = 14 : i64} {
  func.func @_prep1_body(%arg0: i32, %arg1: memref<1280x128xf32, #tpu.memory_space<vmem>>, %arg2: memref<1x1280x8xf32, #tpu.memory_space<vmem>>, %arg3: memref<1x1280x8xf32, #tpu.memory_space<vmem>>, %arg4: memref<1280x128xf32, #tpu.memory_space<vmem>>, %arg5: memref<1280x8xf32, #tpu.memory_space<vmem>>) attributes {dimension_semantics = [#tpu.dimension_semantics<arbitrary>], iteration_bounds = array<i64: 8>, scalar_prefetch = 0 : i64, scratch_operands = 0 : i64, tpu.core_type = #tpu.core_type<tc>, window_params = [{transform_indices = @transform_0, window_bounds = array<i64: 1280, 128>}, {transform_indices = @transform_1, window_bounds = array<i64: 1, 1280, 8>}, {transform_indices = @transform_2, window_bounds = array<i64: 1, 1280, 8>}, {transform_indices = @transform_3, window_bounds = array<i64: 1280, 128>}, {transform_indices = @transform_4, window_bounds = array<i64: 1280, 8>}]} {
    %get3A = arith.constant 0 : index
    %get3A_0 = arith.constant 0 : index
    %get3A_1 = arith.constant 0 : index
    %get3A_2 = vector.load %arg2[%get3A, %get3A_0, %get3A_1] : memref<1x1280x8xf32, #tpu.memory_space<vmem>>, vector<1x1280x8xf32>
    %get3A_3 = vector.shape_cast %get3A_2 : vector<1x1280x8xf32> to vector<1280x8xf32>
    %slice3A = vector.extract_strided_slice %get3A_3 {offsets = [0, 0], sizes = [1280, 1], strides = [1, 1]} : vector<1280x8xf32> to vector<1280x1xf32>
    %get3A_4 = arith.constant 0 : index
    %get3A_5 = arith.constant 0 : index
    %get3A_6 = arith.constant 0 : index
    %get3A_7 = vector.load %arg3[%get3A_4, %get3A_5, %get3A_6] : memref<1x1280x8xf32, #tpu.memory_space<vmem>>, vector<1x1280x8xf32>
    %get3A_8 = vector.shape_cast %get3A_7 : vector<1x1280x8xf32> to vector<1280x8xf32>
    %slice3A_9 = vector.extract_strided_slice %get3A_8 {offsets = [0, 0], sizes = [1280, 1], strides = [1, 1]} : vector<1280x8xf32> to vector<1280x1xf32>
    %add3A = arith.addf %slice3A, %slice3A_9 : vector<1280x1xf32>
    %add3A_10 = arith.constant 1.000000e+00 : f32
    %add3A_11 = vector.broadcast %add3A_10 : f32 to vector<1280x1xf32>
    %add3A_12 = arith.addf %add3A, %add3A_11 : vector<1280x1xf32>
    %rsqrt3A = math.rsqrt %add3A_12 : vector<1280x1xf32>
    %get3A_13 = arith.constant 0 : index
    %get3A_14 = arith.constant 0 : index
    %get3A_15 = vector.load %arg1[%get3A_13, %get3A_14] : memref<1280x128xf32, #tpu.memory_space<vmem>>, vector<1280x128xf32>
    %mul3A = vector.broadcast %rsqrt3A : vector<1280x1xf32> to vector<1280x128xf32>
    %mul3A_16 = arith.mulf %get3A_15, %mul3A : vector<1280x128xf32>
    %swap3A = arith.constant 0 : index
    %swap3A_17 = arith.constant 0 : index
    %swap3A_18 = vector.load %arg4[%swap3A, %swap3A_17] : memref<1280x128xf32, #tpu.memory_space<vmem>>, vector<1280x128xf32>
    tpu.vector_store %arg4[%swap3A, %swap3A_17], %mul3A_16 {strides = array<i32>} : memref<1280x128xf32, #tpu.memory_space<vmem>>, vector<1280x128xf32>,
    %broadcast_in_dim3A = vector.shape_cast %rsqrt3A : vector<1280x1xf32> to vector<1280x1xf32>
    %broadcast_in_dim3A_19 = vector.broadcast %broadcast_in_dim3A : vector<1280x1xf32> to vector<1280x8xf32>
    %swap3A_20 = arith.constant 0 : index
    %swap3A_21 = arith.constant 0 : index
    %swap3A_22 = vector.load %arg5[%swap3A_20, %swap3A_21] : memref<1280x8xf32, #tpu.memory_space<vmem>>, vector<1280x8xf32>
    tpu.vector_store %arg5[%swap3A_20, %swap3A_21], %broadcast_in_dim3A_19 {strides = array<i32>} : memref<1280x8xf32, #tpu.memory_space<vmem>>, vector<1280x8xf32>,
    return
  }
  func.func @transform_0(%arg0: i32) -> (i32, i32) {
    %c0_i32 = arith.constant 0 : i32
    %c0_i32_0 = arith.constant 0 : i32
    return %arg0, %c0_i32 : i32, i32
  }
  func.func @transform_1(%arg0: i32) -> (i32, i32, i32) {
    %c0_i32 = arith.constant 0 : i32
    %c0_i32_0 = arith.constant 0 : i32
    %c0_i32_1 = arith.constant 0 : i32
    return %c0_i32, %arg0, %c0_i32_0 : i32, i32, i32
  }
  func.func @transform_2(%arg0: i32) -> (i32, i32, i32) {
    %c1_i32 = arith.constant 1 : i32
    %c0_i32 = arith.constant 0 : i32
    %c0_i32_0 = arith.constant 0 : i32
    return %c1_i32, %arg0, %c0_i32 : i32, i32, i32
  }
  func.func @transform_3(%arg0: i32) -> (i32, i32) {
    %c0_i32 = arith.constant 0 : i32
    %c0_i32_0 = arith.constant 0 : i32
    return %arg0, %c0_i32 : i32, i32
  }
  func.func @transform_4(%arg0: i32) -> (i32, i32) {
    %c0_i32 = arith.constant 0 : i32
    %c0_i32_0 = arith.constant 0 : i32
    return %arg0, %c0_i32 : i32, i32
  }
}

module attributes {stable_mosaic.version = 14 : i64} {
  func.func @_final_body(%arg0: i32, %arg1: memref<1280x128xf32, #tpu.memory_space<vmem>>, %arg2: memref<1280x128xf32, #tpu.memory_space<vmem>>, %arg3: memref<1280x128xf32, #tpu.memory_space<vmem>>, %arg4: memref<1280x8xf32, #tpu.memory_space<vmem>>, %arg5: memref<128x256xf32, #tpu.memory_space<vmem>>, %arg6: memref<1x256xf32, #tpu.memory_space<vmem>>, %arg7: memref<1x64x1280xf32, #tpu.memory_space<vmem>>, %arg8: memref<1x64x1280xf32, #tpu.memory_space<vmem>>, %arg9: memref<1x1280xi32, #tpu.memory_space<vmem>>, %arg10: memref<256x256xf32, #tpu.memory_space<vmem>>, %arg11: memref<1x256xf32, #tpu.memory_space<vmem>>, %arg12: memref<256x64xf32, #tpu.memory_space<vmem>>, %arg13: memref<1x64xf32, #tpu.memory_space<vmem>>, %arg14: memref<64x32xf32, #tpu.memory_space<vmem>>, %arg15: memref<1x32xf32, #tpu.memory_space<vmem>>, %arg16: memref<256x64xf32, #tpu.memory_space<vmem>>, %arg17: memref<1x64xf32, #tpu.memory_space<vmem>>, %arg18: memref<64x32xf32, #tpu.memory_space<vmem>>, %arg19: memref<1x32xf32, #tpu.memory_space<vmem>>, %arg20: memref<64x256xf32, #tpu.memory_space<vmem>>, %arg21: memref<64x128xf32, #tpu.memory_space<vmem>>, %arg22: memref<64x32xf32, #tpu.memory_space<vmem>>, %arg23: memref<64x32xf32, #tpu.memory_space<vmem>>, %arg24: memref<64x32xf32, #tpu.memory_space<vmem>>) attributes {dimension_semantics = [#tpu.dimension_semantics<arbitrary>], iteration_bounds = array<i64: 8>, scalar_prefetch = 0 : i64, scratch_operands = 0 : i64, tpu.core_type = #tpu.core_type<tc>, window_params = [{transform_indices = @transform_0, window_bounds = array<i64: 1280, 128>}, {transform_indices = @transform_1, window_bounds = array<i64: 1280, 128>}, {transform_indices = @transform_2, window_bounds = array<i64: 1280, 128>}, {transform_indices = @transform_3, window_bounds = array<i64: 1280, 8>}, {pipeline_mode = #tpu.pipeline_mode<synchronous>, transform_indices = @transform_4, window_bounds = array<i64: 128, 256>}, {pipeline_mode = #tpu.pipeline_mode<synchronous>, transform_indices = @transform_5, window_bounds = array<i64: 1, 256>}, {transform_indices = @transform_6, window_bounds = array<i64: 1, 64, 1280>}, {transform_indices = @transform_7, window_bounds = array<i64: 1, 64, 1280>}, {transform_indices = @transform_8, window_bounds = array<i64: 1, 1280>}, {pipeline_mode = #tpu.pipeline_mode<synchronous>, transform_indices = @transform_9, window_bounds = array<i64: 256, 256>}, {pipeline_mode = #tpu.pipeline_mode<synchronous>, transform_indices = @transform_10, window_bounds = array<i64: 1, 256>}, {pipeline_mode = #tpu.pipeline_mode<synchronous>, transform_indices = @transform_11, window_bounds = array<i64: 256, 64>}, {pipeline_mode = #tpu.pipeline_mode<synchronous>, transform_indices = @transform_12, window_bounds = array<i64: 1, 64>}, {pipeline_mode = #tpu.pipeline_mode<synchronous>, transform_indices = @transform_13, window_bounds = array<i64: 64, 32>}, {pipeline_mode = #tpu.pipeline_mode<synchronous>, transform_indices = @transform_14, window_bounds = array<i64: 1, 32>}, {pipeline_mode = #tpu.pipeline_mode<synchronous>, transform_indices = @transform_15, window_bounds = array<i64: 256, 64>}, {pipeline_mode = #tpu.pipeline_mode<synchronous>, transform_indices = @transform_16, window_bounds = array<i64: 1, 64>}, {pipeline_mode = #tpu.pipeline_mode<synchronous>, transform_indices = @transform_17, window_bounds = array<i64: 64, 32>}, {pipeline_mode = #tpu.pipeline_mode<synchronous>, transform_indices = @transform_18, window_bounds = array<i64: 1, 32>}, {pipeline_mode = #tpu.pipeline_mode<synchronous>, transform_indices = @transform_19, window_bounds = array<i64: 64, 256>}, {pipeline_mode = #tpu.pipeline_mode<synchronous>, transform_indices = @transform_20, window_bounds = array<i64: 64, 128>}, {pipeline_mode = #tpu.pipeline_mode<synchronous>, transform_indices = @transform_21, window_bounds = array<i64: 64, 32>}, {pipeline_mode = #tpu.pipeline_mode<synchronous>, transform_indices = @transform_22, window_bounds = array<i64: 64, 32>}, {pipeline_mode = #tpu.pipeline_mode<synchronous>, transform_indices = @transform_23, window_bounds = array<i64: 64, 32>}]} {
    %eq3A = arith.constant 0 : i32
    %eq3A_0 = arith.cmpi eq, %arg0, %eq3A : i32
    %convert_element_type3A = arith.extui %eq3A_0 : i1 to i32
    %cond3A = arith.constant 0 : i32
    %cond3A_1 = arith.cmpi ne, %convert_element_type3A, %cond3A : i32
    scf.if %cond3A_1 {
      %broadcast_in_dim3A_73 = arith.constant 0.000000e+00 : f32
      %broadcast_in_dim3A_74 = vector.broadcast %broadcast_in_dim3A_73 : f32 to vector<64x256xf32>
      %swap3A_75 = arith.constant 0 : index
      %swap3A_76 = arith.constant 0 : index
      %swap3A_77 = vector.load %arg20[%swap3A_75, %swap3A_76] : memref<64x256xf32, #tpu.memory_space<vmem>>, vector<64x256xf32>
      tpu.vector_store %arg20[%swap3A_75, %swap3A_76], %broadcast_in_dim3A_74 {strides = array<i32>} : memref<64x256xf32, #tpu.memory_space<vmem>>, vector<64x256xf32>,
      %broadcast_in_dim3A_78 = arith.constant 0.000000e+00 : f32
      %broadcast_in_dim3A_79 = vector.broadcast %broadcast_in_dim3A_78 : f32 to vector<64x128xf32>
      %swap3A_80 = arith.constant 0 : index
      %swap3A_81 = arith.constant 0 : index
      %swap3A_82 = vector.load %arg21[%swap3A_80, %swap3A_81] : memref<64x128xf32, #tpu.memory_space<vmem>>, vector<64x128xf32>
      tpu.vector_store %arg21[%swap3A_80, %swap3A_81], %broadcast_in_dim3A_79 {strides = array<i32>} : memref<64x128xf32, #tpu.memory_space<vmem>>, vector<64x128xf32>,
    } else {
    }
    %get3A = arith.constant 0 : index
    %get3A_2 = arith.constant 0 : index
    %get3A_3 = vector.load %arg4[%get3A, %get3A_2] : memref<1280x8xf32, #tpu.memory_space<vmem>>, vector<1280x1xf32>
    %get3A_4 = arith.constant 0 : index
    %get3A_5 = arith.constant 0 : index
    %get3A_6 = vector.load %arg1[%get3A_4, %get3A_5] : memref<1280x128xf32, #tpu.memory_space<vmem>>, vector<1280x128xf32>
    %get3A_7 = arith.constant 0 : index
    %get3A_8 = arith.constant 0 : index
    %get3A_9 = vector.load %arg2[%get3A_7, %get3A_8] : memref<1280x128xf32, #tpu.memory_space<vmem>>, vector<1280x128xf32>
    %add3A = arith.addf %get3A_6, %get3A_9 : vector<1280x128xf32>
    %get3A_10 = arith.constant 0 : index
    %get3A_11 = arith.constant 0 : index
    %get3A_12 = vector.load %arg3[%get3A_10, %get3A_11] : memref<1280x128xf32, #tpu.memory_space<vmem>>, vector<1280x128xf32>
    %sub3A = arith.subf %add3A, %get3A_12 : vector<1280x128xf32>
    %mul3A = vector.broadcast %get3A_3 : vector<1280x1xf32> to vector<1280x128xf32>
    %mul3A_13 = arith.mulf %sub3A, %mul3A : vector<1280x128xf32>
    %get3A_14 = arith.constant 0 : index
    %get3A_15 = arith.constant 0 : index
    %get3A_16 = vector.load %arg5[%get3A_14, %get3A_15] : memref<128x256xf32, #tpu.memory_space<vmem>>, vector<128x256xf32>
    %dot_general3A = arith.constant dense<0.000000e+00> : vector<1280x256xf32>
    %dot_general3A_17 = tpu.matmul %mul3A_13, %get3A_16, %dot_general3A {dimension_numbers = #tpu.dot_dimension_numbers<[1], [0], [0], [1], [0, 0, 1, 1], [], []>, transpose_lhs_hint = false} : vector<1280x128xf32>, vector<128x256xf32>, vector<1280x256xf32> -> vector<1280x256xf32>
    %get3A_18 = arith.constant 0 : index
    %get3A_19 = arith.constant 0 : index
    %get3A_20 = vector.load %arg6[%get3A_18, %get3A_19] : memref<1x256xf32, #tpu.memory_space<vmem>>, vector<1x256xf32>
    %add3A_21 = vector.broadcast %get3A_20 : vector<1x256xf32> to vector<1280x256xf32>
    %add3A_22 = arith.addf %dot_general3A_17, %add3A_21 : vector<1280x256xf32>
    %max3A = arith.constant 0.000000e+00 : f32
    %max3A_23 = vector.broadcast %max3A : f32 to vector<1280x256xf32>
    %max3A_24 = arith.maximumf %add3A_22, %max3A_23 : vector<1280x256xf32>
    %mul3A_25 = vector.broadcast %get3A_3 : vector<1280x1xf32> to vector<1280x256xf32>
    %mul3A_26 = arith.mulf %max3A_24, %mul3A_25 : vector<1280x256xf32>
    %get3A_27 = arith.constant 0 : index
    %get3A_28 = arith.constant 0 : index
    %get3A_29 = vector.load %arg9[%get3A_27, %get3A_28] : memref<1x1280xi32, #tpu.memory_space<vmem>>, vector<1x1280xi32>
    %iota3A = tpu.iota {dimensions = array<i32: 0>} : vector<64x1280xi32>
    %eq3A_30 = vector.broadcast %get3A_29 : vector<1x1280xi32> to vector<64x1280xi32>
    %eq3A_31 = arith.cmpi eq, %eq3A_30, %iota3A : vector<64x1280xi32>
    %convert_element_type3A_32 = arith.extui %eq3A_31 : vector<64x1280xi1> to vector<64x1280xi32>
    %convert_element_type3A_33 = arith.sitofp %convert_element_type3A_32 : vector<64x1280xi32> to vector<64x1280xf32>
    %get3A_34 = arith.constant 0 : index
    %get3A_35 = arith.constant 0 : index
    %get3A_36 = arith.constant 0 : index
    %get3A_37 = vector.load %arg7[%get3A_34, %get3A_35, %get3A_36] : memref<1x64x1280xf32, #tpu.memory_space<vmem>>, vector<1x64x1280xf32>
    %get3A_38 = vector.shape_cast %get3A_37 : vector<1x64x1280xf32> to vector<64x1280xf32>
    %get3A_39 = arith.constant 0 : index
    %get3A_40 = arith.constant 0 : index
    %get3A_41 = arith.constant 0 : index
    %get3A_42 = vector.load %arg8[%get3A_39, %get3A_40, %get3A_41] : memref<1x64x1280xf32, #tpu.memory_space<vmem>>, vector<1x64x1280xf32>
    %get3A_43 = vector.shape_cast %get3A_42 : vector<1x64x1280xf32> to vector<64x1280xf32>
    %add3A_44 = arith.addf %get3A_38, %get3A_43 : vector<64x1280xf32>
    %get3A_45 = arith.constant 0 : index
    %get3A_46 = arith.constant 0 : index
    %get3A_47 = vector.load %arg20[%get3A_45, %get3A_46] : memref<64x256xf32, #tpu.memory_space<vmem>>, vector<64x256xf32>
    %dot_general3A_48 = arith.constant dense<0.000000e+00> : vector<64x256xf32>
    %dot_general3A_49 = tpu.matmul %add3A_44, %mul3A_26, %dot_general3A_48 {dimension_numbers = #tpu.dot_dimension_numbers<[1], [0], [0], [1], [0, 0, 1, 1], [], []>, transpose_lhs_hint = false} : vector<64x1280xf32>, vector<1280x256xf32>, vector<64x256xf32> -> vector<64x256xf32>
    %mul3A_50 = vector.broadcast %get3A_3 : vector<1280x1xf32> to vector<1280x256xf32>
    %mul3A_51 = arith.mulf %mul3A_26, %mul3A_50 : vector<1280x256xf32>
    %dot_general3A_52 = arith.constant dense<0.000000e+00> : vector<64x256xf32>
    %dot_general3A_53 = tpu.matmul %convert_element_type3A_33, %mul3A_51, %dot_general3A_52 {dimension_numbers = #tpu.dot_dimension_numbers<[1], [0], [0], [1], [0, 0, 1, 1], [], []>, transpose_lhs_hint = false} : vector<64x1280xf32>, vector<1280x256xf32>, vector<64x256xf32> -> vector<64x256xf32>
    %add3A_54 = arith.addf %dot_general3A_49, %dot_general3A_53 : vector<64x256xf32>
    %add3A_55 = arith.addf %get3A_47, %add3A_54 : vector<64x256xf32>
    %swap3A = arith.constant 0 : index
    %swap3A_56 = arith.constant 0 : index
    %swap3A_57 = vector.load %arg20[%swap3A, %swap3A_56] : memref<64x256xf32, #tpu.memory_space<vmem>>, vector<64x256xf32>
    tpu.vector_store %arg20[%swap3A, %swap3A_56], %add3A_55 {strides = array<i32>} : memref<64x256xf32, #tpu.memory_space<vmem>>, vector<64x256xf32>,
    %get3A_58 = arith.constant 0 : index
    %get3A_59 = arith.constant 0 : index
    %get3A_60 = vector.load %arg21[%get3A_58, %get3A_59] : memref<64x128xf32, #tpu.memory_space<vmem>>, vector<64x128xf32>
    %reduce_sum3A = arith.constant dense<0.000000e+00> : vector<64xf32>
    %reduce_sum3A_61 = vector.multi_reduction <add>, %convert_element_type3A_33, %reduce_sum3A [1] : vector<64x1280xf32> to vector<64xf32>
    %broadcast_in_dim3A = vector.shape_cast %reduce_sum3A_61 : vector<64xf32> to vector<64x1xf32>
    %broadcast_in_dim3A_62 = vector.shape_cast %broadcast_in_dim3A : vector<64x1xf32> to vector<64x1xf32>
    %broadcast_in_dim3A_63 = vector.broadcast %broadcast_in_dim3A_62 : vector<64x1xf32> to vector<64x128xf32>
    %add3A_64 = arith.addf %get3A_60, %broadcast_in_dim3A_63 : vector<64x128xf32>
    %swap3A_65 = arith.constant 0 : index
    %swap3A_66 = arith.constant 0 : index
    %swap3A_67 = vector.load %arg21[%swap3A_65, %swap3A_66] : memref<64x128xf32, #tpu.memory_space<vmem>>, vector<64x128xf32>
    tpu.vector_store %arg21[%swap3A_65, %swap3A_66], %add3A_64 {strides = array<i32>} : memref<64x128xf32, #tpu.memory_space<vmem>>, vector<64x128xf32>,
    %eq3A_68 = arith.constant 7 : i32
    %eq3A_69 = arith.cmpi eq, %arg0, %eq3A_68 : i32
    %convert_element_type3A_70 = arith.extui %eq3A_69 : i1 to i32
    %cond3A_71 = arith.constant 0 : i32
    %cond3A_72 = arith.cmpi ne, %convert_element_type3A_70, %cond3A_71 : i32
    scf.if %cond3A_72 {
      %get3A_73 = arith.constant 0 : index
      %get3A_74 = arith.constant 0 : index
      %get3A_75 = vector.load %arg21[%get3A_73, %get3A_74] : memref<64x128xf32, #tpu.memory_space<vmem>>, vector<64x1xf32>
      %max3A_76 = arith.constant 1.000000e+00 : f32
      %max3A_77 = vector.broadcast %max3A_76 : f32 to vector<64x1xf32>
      %max3A_78 = arith.maximumf %get3A_75, %max3A_77 : vector<64x1xf32>
      %get3A_79 = arith.constant 0 : index
      %get3A_80 = arith.constant 0 : index
      %get3A_81 = vector.load %arg20[%get3A_79, %get3A_80] : memref<64x256xf32, #tpu.memory_space<vmem>>, vector<64x256xf32>
      %div3A = vector.broadcast %max3A_78 : vector<64x1xf32> to vector<64x256xf32>
      %div3A_82 = arith.divf %get3A_81, %div3A : vector<64x256xf32>
      %get3A_83 = arith.constant 0 : index
      %get3A_84 = arith.constant 0 : index
      %get3A_85 = vector.load %arg10[%get3A_83, %get3A_84] : memref<256x256xf32, #tpu.memory_space<vmem>>, vector<256x256xf32>
      %dot_general3A_86 = arith.constant dense<0.000000e+00> : vector<64x256xf32>
      %dot_general3A_87 = tpu.matmul %div3A_82, %get3A_85, %dot_general3A_86 {dimension_numbers = #tpu.dot_dimension_numbers<[1], [0], [0], [1], [0, 0, 1, 1], [], []>, transpose_lhs_hint = false} : vector<64x256xf32>, vector<256x256xf32>, vector<64x256xf32> -> vector<64x256xf32>
      %get3A_88 = arith.constant 0 : index
      %get3A_89 = arith.constant 0 : index
      %get3A_90 = vector.load %arg11[%get3A_88, %get3A_89] : memref<1x256xf32, #tpu.memory_space<vmem>>, vector<1x256xf32>
      %add3A_91 = vector.broadcast %get3A_90 : vector<1x256xf32> to vector<64x256xf32>
      %add3A_92 = arith.addf %dot_general3A_87, %add3A_91 : vector<64x256xf32>
      %get3A_93 = arith.constant 0 : index
      %get3A_94 = arith.constant 0 : index
      %get3A_95 = vector.load %arg12[%get3A_93, %get3A_94] : memref<256x64xf32, #tpu.memory_space<vmem>>, vector<256x64xf32>
      %dot_general3A_96 = arith.constant dense<0.000000e+00> : vector<64x64xf32>
      %dot_general3A_97 = tpu.matmul %add3A_92, %get3A_95, %dot_general3A_96 {dimension_numbers = #tpu.dot_dimension_numbers<[1], [0], [0], [1], [0, 0, 1, 1], [], []>, transpose_lhs_hint = false} : vector<64x256xf32>, vector<256x64xf32>, vector<64x64xf32> -> vector<64x64xf32>
      %get3A_98 = arith.constant 0 : index
      %get3A_99 = arith.constant 0 : index
      %get3A_100 = vector.load %arg13[%get3A_98, %get3A_99] : memref<1x64xf32, #tpu.memory_space<vmem>>, vector<1x64xf32>
      %add3A_101 = vector.broadcast %get3A_100 : vector<1x64xf32> to vector<64x64xf32>
      %add3A_102 = arith.addf %dot_general3A_97, %add3A_101 : vector<64x64xf32>
      %max3A_103 = arith.constant 0.000000e+00 : f32
      %max3A_104 = vector.broadcast %max3A_103 : f32 to vector<64x64xf32>
      %max3A_105 = arith.maximumf %add3A_102, %max3A_104 : vector<64x64xf32>
      %get3A_106 = arith.constant 0 : index
      %get3A_107 = arith.constant 0 : index
      %get3A_108 = vector.load %arg14[%get3A_106, %get3A_107] : memref<64x32xf32, #tpu.memory_space<vmem>>, vector<64x32xf32>
      %dot_general3A_109 = arith.constant dense<0.000000e+00> : vector<64x32xf32>
      %dot_general3A_110 = tpu.matmul %max3A_105, %get3A_108, %dot_general3A_109 {dimension_numbers = #tpu.dot_dimension_numbers<[1], [0], [0], [1], [0, 0, 1, 1], [], []>, transpose_lhs_hint = false} : vector<64x64xf32>, vector<64x32xf32>, vector<64x32xf32> -> vector<64x32xf32>
      %get3A_111 = arith.constant 0 : index
      %get3A_112 = arith.constant 0 : index
      %get3A_113 = vector.load %arg15[%get3A_111, %get3A_112] : memref<1x32xf32, #tpu.memory_space<vmem>>, vector<1x32xf32>
      %add3A_114 = vector.broadcast %get3A_113 : vector<1x32xf32> to vector<64x32xf32>
      %add3A_115 = arith.addf %dot_general3A_110, %add3A_114 : vector<64x32xf32>
      %swap3A_116 = arith.constant 0 : index
      %swap3A_117 = arith.constant 0 : index
      %swap3A_118 = vector.load %arg22[%swap3A_116, %swap3A_117] : memref<64x32xf32, #tpu.memory_space<vmem>>, vector<64x32xf32>
      tpu.vector_store %arg22[%swap3A_116, %swap3A_117], %add3A_115 {strides = array<i32>} : memref<64x32xf32, #tpu.memory_space<vmem>>, vector<64x32xf32>,
      %get3A_119 = arith.constant 0 : index
      %get3A_120 = arith.constant 0 : index
      %get3A_121 = vector.load %arg16[%get3A_119, %get3A_120] : memref<256x64xf32, #tpu.memory_space<vmem>>, vector<256x64xf32>
      %dot_general3A_122 = arith.constant dense<0.000000e+00> : vector<64x64xf32>
      %dot_general3A_123 = tpu.matmul %add3A_92, %get3A_121, %dot_general3A_122 {dimension_numbers = #tpu.dot_dimension_numbers<[1], [0], [0], [1], [0, 0, 1, 1], [], []>, transpose_lhs_hint = false} : vector<64x256xf32>, vector<256x64xf32>, vector<64x64xf32> -> vector<64x64xf32>
      %get3A_124 = arith.constant 0 : index
      %get3A_125 = arith.constant 0 : index
      %get3A_126 = vector.load %arg17[%get3A_124, %get3A_125] : memref<1x64xf32, #tpu.memory_space<vmem>>, vector<1x64xf32>
      %add3A_127 = vector.broadcast %get3A_126 : vector<1x64xf32> to vector<64x64xf32>
      %add3A_128 = arith.addf %dot_general3A_123, %add3A_127 : vector<64x64xf32>
      %max3A_129 = arith.constant 0.000000e+00 : f32
      %max3A_130 = vector.broadcast %max3A_129 : f32 to vector<64x64xf32>
      %max3A_131 = arith.maximumf %add3A_128, %max3A_130 : vector<64x64xf32>
      %get3A_132 = arith.constant 0 : index
      %get3A_133 = arith.constant 0 : index
      %get3A_134 = vector.load %arg18[%get3A_132, %get3A_133] : memref<64x32xf32, #tpu.memory_space<vmem>>, vector<64x32xf32>
      %dot_general3A_135 = arith.constant dense<0.000000e+00> : vector<64x32xf32>
      %dot_general3A_136 = tpu.matmul %max3A_131, %get3A_134, %dot_general3A_135 {dimension_numbers = #tpu.dot_dimension_numbers<[1], [0], [0], [1], [0, 0, 1, 1], [], []>, transpose_lhs_hint = false} : vector<64x64xf32>, vector<64x32xf32>, vector<64x32xf32> -> vector<64x32xf32>
      %get3A_137 = arith.constant 0 : index
      %get3A_138 = arith.constant 0 : index
      %get3A_139 = vector.load %arg19[%get3A_137, %get3A_138] : memref<1x32xf32, #tpu.memory_space<vmem>>, vector<1x32xf32>
      %add3A_140 = vector.broadcast %get3A_139 : vector<1x32xf32> to vector<64x32xf32>
      %add3A_141 = arith.addf %dot_general3A_136, %add3A_140 : vector<64x32xf32>
      %reduce_max3A = arith.constant dense<0xFF800000> : vector<64xf32>
      %reduce_max3A_142 = vector.multi_reduction <maximumf>, %add3A_141, %reduce_max3A [1] : vector<64x32xf32> to vector<64xf32>
      %broadcast_in_dim3A_143 = vector.shape_cast %reduce_max3A_142 : vector<64xf32> to vector<64x1xf32>
      %sub3A_144 = vector.broadcast %broadcast_in_dim3A_143 : vector<64x1xf32> to vector<64x32xf32>
      %sub3A_145 = arith.subf %add3A_141, %sub3A_144 : vector<64x32xf32>
      %exp3A = math.exp %sub3A_145 : vector<64x32xf32>
      %reduce_sum3A_146 = arith.constant dense<0.000000e+00> : vector<64xf32>
      %reduce_sum3A_147 = vector.multi_reduction <add>, %exp3A, %reduce_sum3A_146 [1] : vector<64x32xf32> to vector<64xf32>
      %broadcast_in_dim3A_148 = vector.shape_cast %reduce_sum3A_147 : vector<64xf32> to vector<64x1xf32>
      %log3A = math.log %broadcast_in_dim3A_148 : vector<64x1xf32>
      %add3A_149 = arith.addf %log3A, %broadcast_in_dim3A_143 : vector<64x1xf32>
      %sub3A_150 = vector.broadcast %add3A_149 : vector<64x1xf32> to vector<64x32xf32>
      %sub3A_151 = arith.subf %add3A_141, %sub3A_150 : vector<64x32xf32>
      %swap3A_152 = arith.constant 0 : index
      %swap3A_153 = arith.constant 0 : index
      %swap3A_154 = vector.load %arg23[%swap3A_152, %swap3A_153] : memref<64x32xf32, #tpu.memory_space<vmem>>, vector<64x32xf32>
      tpu.vector_store %arg23[%swap3A_152, %swap3A_153], %sub3A_151 {strides = array<i32>} : memref<64x32xf32, #tpu.memory_space<vmem>>, vector<64x32xf32>,
      %swap3A_155 = arith.constant 0 : index
      %swap3A_156 = arith.constant 0 : index
      %swap3A_157 = vector.load %arg24[%swap3A_155, %swap3A_156] : memref<64x32xf32, #tpu.memory_space<vmem>>, vector<64x32xf32>
      tpu.vector_store %arg24[%swap3A_155, %swap3A_156], %add3A_141 {strides = array<i32>} : memref<64x32xf32, #tpu.memory_space<vmem>>, vector<64x32xf32>,
    } else {
    }
    return
  }
  func.func @transform_0(%arg0: i32) -> (i32, i32) {
    %c0_i32 = arith.constant 0 : i32
    %c0_i32_0 = arith.constant 0 : i32
    return %arg0, %c0_i32 : i32, i32
  }
  func.func @transform_1(%arg0: i32) -> (i32, i32) {
    %add3A = arith.constant 8 : i32
    %add3A_0 = arith.addi %arg0, %add3A : i32
    %c0_i32 = arith.constant 0 : i32
    %c0_i32_1 = arith.constant 0 : i32
    return %add3A_0, %c0_i32 : i32, i32
  }
  func.func @transform_2(%arg0: i32) -> (i32, i32) {
    %c0_i32 = arith.constant 0 : i32
    %c0_i32_0 = arith.constant 0 : i32
    return %arg0, %c0_i32 : i32, i32
  }
  func.func @transform_3(%arg0: i32) -> (i32, i32) {
    %c0_i32 = arith.constant 0 : i32
    %c0_i32_0 = arith.constant 0 : i32
    return %arg0, %c0_i32 : i32, i32
  }
  func.func @transform_4(%arg0: i32) -> (i32, i32) {
    %c0_i32 = arith.constant 0 : i32
    %c0_i32_0 = arith.constant 0 : i32
    %c0_i32_1 = arith.constant 0 : i32
    return %c0_i32, %c0_i32_0 : i32, i32
  }
  func.func @transform_5(%arg0: i32) -> (i32, i32) {
    %c0_i32 = arith.constant 0 : i32
    %c0_i32_0 = arith.constant 0 : i32
    %c0_i32_1 = arith.constant 0 : i32
    return %c0_i32, %c0_i32_0 : i32, i32
  }
  func.func @transform_6(%arg0: i32) -> (i32, i32, i32) {
    %c0_i32 = arith.constant 0 : i32
    %c0_i32_0 = arith.constant 0 : i32
    %c0_i32_1 = arith.constant 0 : i32
    return %c0_i32, %c0_i32_0, %arg0 : i32, i32, i32
  }
  func.func @transform_7(%arg0: i32) -> (i32, i32, i32) {
    %c1_i32 = arith.constant 1 : i32
    %c0_i32 = arith.constant 0 : i32
    %c0_i32_0 = arith.constant 0 : i32
    return %c1_i32, %c0_i32, %arg0 : i32, i32, i32
  }
  func.func @transform_8(%arg0: i32) -> (i32, i32) {
    %c0_i32 = arith.constant 0 : i32
    %c0_i32_0 = arith.constant 0 : i32
    return %c0_i32, %arg0 : i32, i32
  }
  func.func @transform_9(%arg0: i32) -> (i32, i32) {
    %c0_i32 = arith.constant 0 : i32
    %c0_i32_0 = arith.constant 0 : i32
    %c0_i32_1 = arith.constant 0 : i32
    return %c0_i32, %c0_i32_0 : i32, i32
  }
  func.func @transform_10(%arg0: i32) -> (i32, i32) {
    %c0_i32 = arith.constant 0 : i32
    %c0_i32_0 = arith.constant 0 : i32
    %c0_i32_1 = arith.constant 0 : i32
    return %c0_i32, %c0_i32_0 : i32, i32
  }
  func.func @transform_11(%arg0: i32) -> (i32, i32) {
    %c0_i32 = arith.constant 0 : i32
    %c0_i32_0 = arith.constant 0 : i32
    %c0_i32_1 = arith.constant 0 : i32
    return %c0_i32, %c0_i32_0 : i32, i32
  }
  func.func @transform_12(%arg0: i32) -> (i32, i32) {
    %c0_i32 = arith.constant 0 : i32
    %c0_i32_0 = arith.constant 0 : i32
    %c0_i32_1 = arith.constant 0 : i32
    return %c0_i32, %c0_i32_0 : i32, i32
  }
  func.func @transform_13(%arg0: i32) -> (i32, i32) {
    %c0_i32 = arith.constant 0 : i32
    %c0_i32_0 = arith.constant 0 : i32
    %c0_i32_1 = arith.constant 0 : i32
    return %c0_i32, %c0_i32_0 : i32, i32
  }
  func.func @transform_14(%arg0: i32) -> (i32, i32) {
    %c0_i32 = arith.constant 0 : i32
    %c0_i32_0 = arith.constant 0 : i32
    %c0_i32_1 = arith.constant 0 : i32
    return %c0_i32, %c0_i32_0 : i32, i32
  }
  func.func @transform_15(%arg0: i32) -> (i32, i32) {
    %c0_i32 = arith.constant 0 : i32
    %c0_i32_0 = arith.constant 0 : i32
    %c0_i32_1 = arith.constant 0 : i32
    return %c0_i32, %c0_i32_0 : i32, i32
  }
  func.func @transform_16(%arg0: i32) -> (i32, i32) {
    %c0_i32 = arith.constant 0 : i32
    %c0_i32_0 = arith.constant 0 : i32
    %c0_i32_1 = arith.constant 0 : i32
    return %c0_i32, %c0_i32_0 : i32, i32
  }
  func.func @transform_17(%arg0: i32) -> (i32, i32) {
    %c0_i32 = arith.constant 0 : i32
    %c0_i32_0 = arith.constant 0 : i32
    %c0_i32_1 = arith.constant 0 : i32
    return %c0_i32, %c0_i32_0 : i32, i32
  }
  func.func @transform_18(%arg0: i32) -> (i32, i32) {
    %c0_i32 = arith.constant 0 : i32
    %c0_i32_0 = arith.constant 0 : i32
    %c0_i32_1 = arith.constant 0 : i32
    return %c0_i32, %c0_i32_0 : i32, i32
  }
  func.func @transform_19(%arg0: i32) -> (i32, i32) {
    %c0_i32 = arith.constant 0 : i32
    %c0_i32_0 = arith.constant 0 : i32
    %c0_i32_1 = arith.constant 0 : i32
    return %c0_i32, %c0_i32_0 : i32, i32
  }
  func.func @transform_20(%arg0: i32) -> (i32, i32) {
    %c0_i32 = arith.constant 0 : i32
    %c0_i32_0 = arith.constant 0 : i32
    %c0_i32_1 = arith.constant 0 : i32
    return %c0_i32, %c0_i32_0 : i32, i32
  }
  func.func @transform_21(%arg0: i32) -> (i32, i32) {
    %c0_i32 = arith.constant 0 : i32
    %c0_i32_0 = arith.constant 0 : i32
    %c0_i32_1 = arith.constant 0 : i32
    return %c0_i32, %c0_i32_0 : i32, i32
  }
  func.func @transform_22(%arg0: i32) -> (i32, i32) {
    %c0_i32 = arith.constant 0 : i32
    %c0_i32_0 = arith.constant 0 : i32
    %c0_i32_1 = arith.constant 0 : i32
    return %c0_i32, %c0_i32_0 : i32, i32
  }
  func.func @transform_23(%arg0: i32) -> (i32, i32) {
    %c0_i32 = arith.constant 0 : i32
    %c0_i32_0 = arith.constant 0 : i32
    %c0_i32_1 = arith.constant 0 : i32
    return %c0_i32, %c0_i32_0 : i32, i32
  }
}

</mosaic_0001>

<sc_bundles>
// kernel: kernel.10.cloned.1.call-start
scs
__scs_entry_jumppad:
0x0: {  	(pc) =	sbr.rel $0x88, $3  }
0x1: {  	(tag) =	ssettag $0x0;
	lr =	simm.s32 $0x1  }
0x2: {  	[smem:$0x3F92] =	sst lr;
	_ =	strace $0xD0000000  }
0x3: {  	_ = 	snop  }
0x4: {  	_ = 	snop  }
0x5: {  	_ = 	snop  }
0x6: {  	_ = 	snop  }
0x7: {  	_ = 	snop  }
__scs_overlays_trampoline_lowered:
0x8: {  	[smem:$0x3FA1] =	sst s0  }
0x9: {  	[smem:$0x3FA2] =	sst s1  }
0xa: {  	[smem:$0x3FA3] =	sst s2  }
0xb: {  	[smem:$0x3FA4] =	sst s3  }
0xc: {  	[smem:$0x3FA5] =	sst s4  }
0xd: {  	[smem:$0x3FA6] =	sst s5  }
0xe: {  	[smem:$0x3FA7] =	sst s6  }
0xf: {  	[smem:$0x3FA8] =	sst s7  }
0x10: {  	[smem:$0x3FA9] =	sst s8  }
0x11: {  	[smem:$0x3FAA] =	sst s9;
	s0 =	simm.s32 @!p0 $0x0  }
0x12: {  	s1 =	sld [smem:$0x3F90];
	s0 =	simm.s32 @p0 $0x1  }
0x13: {  	[smem:$0x3FAB] =	sst s0;
	s0 =	simm.s32 @!p1 $0x0  }
0x14: {  	s2 =	sld [smem:$0x3F8F];
	s0 =	simm.s32 @p1 $0x1  }
0x15: {  	[smem:$0x3FAC] =	sst s0;
	s0 =	simm.s32 @!p2 $0x0  }
0x16: {  	s3 =	sld [smem:$0x3FDB];
	s0 =	simm.s32 @p2 $0x1  }
0x17: {  	s4 =	simm.s32 $0x1BF5;
	[smem:$0x3FAE] =	sst s0  }
0x18: {  	s0 =	sld [smem:$0x3F91];
	_ =	swait.ge [sflag:s4], $0x0  }
0x19: {  	s7 =	sld [smem:$0x3F92]  }
0x1a: {  	s8 =	sadd.s32 $0xFFFFE003, lr  }
0x1b: {  	s9 =	sadd.s32 $0xFFFFFEF7, lr;
	s5 =	simm.s32 $0xFFFFFFFF;
	p2 =	slt.u32 s8, $0xFFFFF086  }
0x1c: {  	p1 =	slt.u32 s9, $0xF7A;
	s5 =	simm.s32 @!p2 $0x0  }
0x1d: {  	s5 =	simm.s32 @p1 $0x1;
	p0 =	seq.s32 s7, s2  }
0x1e: {  	s7 =	smul.u32 @!p0 $0xF7A, s2;
	p2 =	seq.s32 @!p0 s5, $0x0  }
0x1f: {  	s9 =	smul.u32 $0xF7A, s1;
	s8 =	simm.s32 @!p0 $0x1BF5;
	p2 =	por !p2, p0  }
0x20: {  	[sflag:s8] =	ssyncset.s32 @!p0 $0xFFFFF086;
	s6 =	sadd.s32 @!p0 s3, s7;
	s7 =	simm.s32 @!p0 $0x108  }
0x21: {  	s3 =	sadd.s32 s3, s9;
	s6 =	sadd.s32 @!p0 $0x88, s6;
	s7 =	simm.s32 @p2 $0x1082  }
0x22: {  	[simem:s7], [sflag:s8] =	dma.local @!p0 [hbm:s6], $0xF7A  }
0x23: {  	s9 =	sor.u32 $0xD0000000, s2;
	s6 =	simm.s32 $0x108;
	_ =	swait.ge @!p0 [sflag:s8], $0x0  }
0x24: {  	s3 =	sadd.s32 $0x88, s3;
	s6 =	simm.s32 @!p1 $0x1082;
	[sflag:s4] =	ssyncset.s32 $0xFFFFF086  }
0x25: {  	[simem:s6], [sflag:s4] =	dma.local [hbm:s3], $0xF7A  }
0x26: {  	[smem:$0x3F92] =	sst s1;
	(tag) =	ssettag s2;
	_ =	strace s9  }
0x27: {  	s1 =	sld [smem:$0x3FA2]  }
0x28: {  	s2 =	sld [smem:$0x3FA3]  }
0x29: {  	s4 =	sld [smem:$0x3FA5]  }
0x2a: {  	p0 =	seq.s32 s5, $0x0;
	s5 =	sld [smem:$0x3FA6]  }
0x2b: {  	s6 =	sld [smem:$0x3FA7]  }
0x2c: {  	s7 =	sld [smem:$0x3FA8]  }
0x2d: {  	s3 =	simm.s32 $0x108;
	s8 =	sld [smem:$0x3FA9]  }
0x2e: {  	s3 =	simm.s32 @!p0 $0x1082;
	s9 =	sld [smem:$0x3FAA]  }
0x2f: {  	lr =	sadd.s32 s0, s3;
	s0 =	sld [smem:$0x3FA1]  }
0x30: {  	s3 =	sld [smem:$0x3FA4]  }
0x31: {  	[smem:$0x3FAD] =	sst s10  }
0x32: {  	s10 =	sld [smem:$0x3FAB];
	_ =	sdelay $0x3  }
0x33: {  	p0 =	seq.s32 s10, $0x1;
	s10 =	sld [smem:$0x3FAD];
	_ =	sdelay $0x3  }
0x34: {  	[smem:$0x3FAD] =	sst s10  }
0x35: {  	s10 =	sld [smem:$0x3FAC];
	_ =	sdelay $0x3  }
0x36: {  	p1 =	seq.s32 s10, $0x1;
	s10 =	sld [smem:$0x3FAD];
	_ =	sdelay $0x3  }
0x37: {  	[smem:$0x3FAD] =	sst s10  }
0x38: {  	s10 =	sld [smem:$0x3FAE]  }
0x39: {  	_ = 	snop;
	(pc) =	sbr.ind lr, $3  }
0x3a: {  	_ = 	snop  }
0x3b: {  	_ = 	snop  }
0x3c: {  	p2 =	seq.s32 s10, $0x1;
	s10 =	sld [smem:$0x3FAD]  }
0x3d: {  	_ =	shalt  }
0x3e: {  	_ =	shalt  }
0x3f: {  	_ =	shalt  }
0x40: {  	_ =	shalt  }
0x41: {  	_ =	shalt  }
0x42: {  	_ =	shalt  }
0x43: {  	_ =	shalt  }
0x44: {  	_ =	shalt  }
0x45: {  	_ =	shalt  }
0x46: {  	_ =	shalt  }
0x47: {  	_ =	shalt  }
0x48: {  	_ =	shalt  }
0x49: {  	_ =	shalt  }
0x4a: {  	_ =	shalt  }
0x4b: {  	_ =	shalt  }
0x4c: {  	_ =	shalt  }
0x4d: {  	_ =	shalt  }
0x4e: {  	_ =	shalt  }
0x4f: {  	_ =	shalt  }
0x50: {  	_ =	shalt  }
0x51: {  	_ =	shalt  }
0x52: {  	_ =	shalt  }
0x53: {  	_ =	shalt  }
0x54: {  	_ =	shalt  }
0x55: {  	_ =	shalt  }
0x56: {  	_ =	shalt  }
0x57: {  	_ =	shalt  }
0x58: {  	_ =	shalt  }
0x59: {  	_ =	shalt  }
0x5a: {  	_ =	shalt  }
0x5b: {  	_ =	shalt  }
0x5c: {  	_ =	shalt  }
0x5d: {  	_ =	shalt  }
0x5e: {  	_ =	shalt  }
0x5f: {  	_ =	shalt  }
0x60: {  	_ =	shalt  }
0x61: {  	_ =	shalt  }
0x62: {  	_ =	shalt  }
0x63: {  	_ =	shalt  }
0x64: {  	_ =	shalt  }
0x65: {  	_ =	shalt  }
0x66: {  	_ =	shalt  }
0x67: {  	_ =	shalt  }
0x68: {  	_ =	shalt  }
0x69: {  	_ =	shalt  }
0x6a: {  	_ =	shalt  }
0x6b: {  	_ =	shalt  }
0x6c: {  	_ =	shalt  }
0x6d: {  	_ =	shalt  }
0x6e: {  	_ =	shalt  }
0x6f: {  	_ =	shalt  }
0x70: {  	_ =	shalt  }
0x71: {  	_ =	shalt  }
0x72: {  	_ =	shalt  }
0x73: {  	_ =	shalt  }
0x74: {  	_ =	shalt  }
0x75: {  	_ =	shalt  }
0x76: {  	_ =	shalt  }
0x77: {  	_ =	shalt  }
0x78: {  	_ =	shalt  }
0x79: {  	_ =	shalt  }
0x7a: {  	_ =	shalt  }
0x7b: {  	_ =	shalt  }
0x7c: {  	_ =	shalt  }
0x7d: {  	_ =	shalt  }
0x7e: {  	_ =	shalt  }
0x7f: {  	_ =	shalt  }
0x80: {  	_ =	shalt  }
0x81: {  	_ =	shalt  }
0x82: {  	_ =	shalt  }
0x83: {  	_ =	shalt  }
0x84: {  	_ =	shalt  }
0x85: {  	_ =	shalt  }
0x86: {  	_ =	shalt  }
0x87: {  	_ =	shalt  }
.Lfunc_end0:
.L_simem_size_0:
called_computation.1_lowered:
.L_overlay_start_0:
0x88: {  	s2 =	sld [smem:$0x3FD9]  }
0x89: {  	s3 =	sld [smem:$0x3FFE];
	_ =	sdelay $0x1  }
0x8a: {  	s1 =	srdreg.scid  }
0x8b: {  	s0 =	sand.u32 $0x1, s1  }
0x8c: {  	s17 =	sshll.u32 s0, $0xA;
	s2 =	sadd.s32 s3, s2  }
0x8d: {  	s2 =	sadd.s32 s2, s17  }
0x8e: {  	[smem:$0x3FB9] =	sst s2  }
0x8f: {  	_ = 	snop  }
0x90: {  	(tm) =	ssettm $0x1  }
0x91: {  	s18 =	sld [smem:$0x3FFB];
	_ =	sdelay $0x3  }
0x92: {  	_ =	strace s18  }
0x93: {  	s2 =	sld [smem:$0x3FFC];
	_ =	sdelay $0x3  }
0x94: {  	_ =	strace s2  }
0x95: {  	s2 =	sld [smem:$0x3FFD];
	_ =	sdelay $0x3  }
0x96: {  	_ =	strace s2  }
0x97: {  	_ =	strace $0x8FFFFFFF  }
0x98: {  	s19 =	sld [smem:$0x3FDB];
	_ =	sdelay $0x1  }
0x99: {  	s20 =	simm.s32 $_scs_section_size  }
0x9a: {  	s4 =	simm.s32 $_size__tile_overlayer_lowered;
	s5 =	simm.s32 $_tile_overlayer_lowered  }
0x9b: {  	s6 =	simm.s32 $0x1BFF;
	s21 =	sshll.u32 s5, $0x1;
	s3 =	sadd.s32 s20, s19  }
0x9c: {  	s22 =	simm.s32 $0x0;
	s4 =	sshll.u32 s4, $0x1;
	s5 =	sadd.s32 s21, s3  }
0x9d: {  	[timem:s22], [sflag:s6] =	dma.local [hbm:s5], s4  }
0x9e: {  	_ =	swait.ge [sflag:s6], s4  }
0x9f: {  	s4 =	ssub.s32 $0x0, s4;
	[sflag:s6] =	ssyncset.done $0x0  }
0xa0: {  	[sflag:s6] =	ssyncadd.s32 s4;
	_ =	sdelay $0x1  }
0xa1: {  	s23 =	simm.s32 $0x1B8B  }
0xa2: {  	_ =	swait.ge [sflag:s23], $0x1  }
0xa3: {  	[sflag:s23] =	ssyncset.done $0x0  }
0xa4: {  	[sflag:s23] =	ssyncadd.s32 $0xFFFFFFFF  }
0xa5: {  	s4 =	sld [smem:$0x0]  }
0xa6: {  	s5 =	sand.u32 $0xFFFFFFFE, s1  }
0xa7: {  	p0 =	sne.s32 s1, s5  }
0xa8: {  	s5 =	sshll.u32 @p0 s5, $0xE  }
0xa9: {  	s5 =	sadd.s32 @p0 $0x11B8D, s5;
	s6 =	sshll.u32 @p0 s4, $0x11  }
0xaa: {  	s5 =	sor.u32 @p0 s6, s5  }
0xab: {  	[sflag:s5] =	ssyncadd.remote.s32 @p0 $0x1;
	_ =	sdelay $0x1  }
0xac: {  	s5 =	simm.s32 @p0 $0x1B8D  }
0xad: {  	_ =	swait.eq @p0 [sflag:s5], $0x1  }
0xae: {  	[sflag:s5] =	ssyncadd.s32 @p0 $0xFFFFFFFF  }
0xaf: {  	s6 =	sshll.u32 @!p0 s1, $0xE  }
0xb0: {  	s6 =	sor.u32 @!p0 $0x4000, s6;
	s5 =	simm.s32 @!p0 $0x1B8D  }
0xb1: {  	s4 =	sshll.u32 @!p0 s4, $0x11;
	s6 =	sadd.s32 @!p0 $0x11B8D, s6;
	_ =	swait.eq @!p0 [sflag:s5], $0x1  }
0xb2: {  	s4 =	sor.u32 @!p0 s4, s6;
	[sflag:s5] =	ssyncadd.s32 @!p0 $0xFFFFFFFF  }
0xb3: {  	s25 =	simm.s32 $0x1B8E;
	s24 =	sld [smem:$0x3FFE];
	[sflag:s4] =	ssyncadd.remote.s32 @!p0 $0x1  }
0xb4: {  	s26 =	simm.s32 $execute0_lowered;
	[smem:$0x3FD2] =	sst s25  }
0xb5: {  	s5 =	sshll.u32 s26, $0x1;
	_ =	strace $0x8000004C;
	[dreg:$0x1] =	wrdreg $0xFFFFFFFF  }
0xb6: {  	s28 =	simm.s32 $_size_execute0_lowered;
	s3 =	sadd.s32 s3, s5;
	[dreg:$0x0] =	wrdreg $0x0  }
0xb7: {  	s5 =	sshll.u32 s28, $0x1;
	[dreg:$0x2] =	wrdreg s3  }
0xb8: {  	[dreg:$0x3] =	wrdreg s5  }
0xb9: {  	[dreg:$0x4] =	wrdreg $0xC0  }
0xba: {  	_ =	task [dreg:s22], $0x5FFFF  }
0xbb: {  	[dreg:$0x1] =	wrdreg $0xFFFFFFFF  }
0xbc: {  	[dreg:$0x0] =	wrdreg $0x60  }
0xbd: {  	[dreg:$0x2] =	wrdreg s24  }
0xbe: {  	[dreg:$0x3] =	wrdreg $0xA8000  }
0xbf: {  	[dreg:$0x4] =	wrdreg $0x9  }
0xc0: {  	_ =	task.clear_ibuf [dreg:s22], $0x5FFFF;
	_ =	strace $0x9000004C  }
0xc1: {  	s29 =	simm.s32 $0x9;
	_ =	strace $0x8000004E  }
0xc2: {  	_ =	swait.ge [sflag:s29], $0x1  }
0xc3: {  	[sflag:s29] =	ssyncadd.s32 $0xFFFFFFFF  }
0xc4: {  	_ =	strace $0x9000004E  }
0xc5: {  	_ =	sfence  }
0xc6: {  	s30 =	sld [smem:$0x0];
	_ =	sdelay $0x2  }
0xc7: {  	s31 =	sshll.u32 s1, $0xD;
	s1 =	sshrl.u32 s1, $0x2  }
0xc8: {  	s4 =	sand.u32 $0x4000, s31;
	s1 =	sadd.s32 s1, s30  }
0xc9: {  	s0 =	sor.u32 s4, s0;
	s1 =	sshll.u32 s1, $0x11  }
0xca: {  	s0 =	sor.u32 s1, s0  }
0xcb: {  	s0 =	sadd.s32 $0x8F2B, s0  }
0xcc: {  	[sflag:s0] =	ssyncadd.remote.s32 $0x1  }
0xcd: {  	_ =	sfence.sel $0xFFFF  }
0xce: {  	[dreg:$0x0] =	wrdreg $0xFFFFFFFF;
	(pc) =	sbr.abs _section_cstart, $3  }
0xcf: {  	[dreg:$0x1] =	wrdreg $0xFFFFFFFF  }
0xd0: {  	_ =	task.clear_ibuf [dreg:s22], $0x2FFFF;
	_ =	strace $0x9FFFFFFF  }
0xd1: {  	(tm) =	ssettm $0x7FFFFFFF  }
tec
execute0_lowered:
.L_overlay_start_1:
0x0: {  	(tag) =	ssettag $0x1  }
0x1: {  	s5 =	rddreg [dreg:$0x0]  }
0x2: {  	s2 =	rddreg [dreg:$0x1];
	s4 =	srdreg.scid  }
0x3: {  	s1 =	stileid.u32;
	s3 =	simm.s32 $0x0;
	s16 =	simm.s32 $0x80  }
0x4: {  	s17 =	simm.s32 $0x2800;
	s18 =	simm.s32 $0x6800;
	s19 =	simm.s32 $0x1  }
0x5: {  	s20 =	simm.s32 $0x3;
	s21 =	simm.s32 $0x2;
	s22 =	simm.s32 $0x4  }
0x6: {  	s23 =	simm.s32 $0x1380;
	s24 =	simm.s32 $0x2700;
	s25 =	simm.s32 $0x2780  }
0x7: {  	s26 =	simm.s32 $0x0;
	s6 =	sand.u32 $0x1, s4;
	s7 =	smul.u32 $0x2800, s1  }
0x8: {  	[smem:$0x7FF] =	sst s3;
	s4 =	sadd.s32 $0x29000, s5;
	s11 =	sadd.s32 $0x1F000, s5  }
0x9: {  	s12 =	sadd.s32 $0xD200, s5;
	s13 =	smul.u32 $0x50000, s1;
	s30 =	sshll.u32 s1, $0x6  }
0xa: {  	s8 =	smul.u32 $0x28000, s6;
	s9 =	ssub.s32 $0x2, s6;
	s6 =	sshll.u32 s6, $0x4  }
0xb: {  	_ =	strace $0x8000004D;
	s10 =	sshrl.u32 s9, $0x1;
	s28 =	sor.u32 s1, s6  }
0xc: {  	s29 =	sshrl.u32 s13, $0x2;
	s6 =	sor.u32 $0x1C05, s30;
	s8 =	sadd.s32 s7, s8  }
0xd: {  	s9 =	ssub.s32 s9, s10;
	s31 =	smul.u32 $0x500, s28;
	s14 =	sadd.s32 s29, s2  }
0xe: {  	s8 =	sadd.s32 s8, s5;
	s5 =	sadd.s32 s4, s7;
	s13 =	sshrl.u32 s14, $0x3  }
0xf: {  	s14 =	simm.s32 $0x5;
	s7 =	sadd.s32 $0x8D600, s8;
	s8 =	smax.u32 s9, $0x1  }
0x10: {  	s15 =	sadd.s32 $0x280, s31;
	s9 =	sadd.s32 s11, s31;
	s10 =	sadd.s32 s12, s31  }
0x11: {  	s11 =	sadd.s32 s11, s15;
	s12 =	sadd.s32 s12, s15;
	s15 =	simm.s32 $0x1400  }
.LBB2_1:
0x12: {  	[spmem:s13], [sflag:s6] =	dma.local [hbm:s5], $0x2800  }
0x13: {  	_ =	swait.ge [sflag:s14], $0x2800  }
0x14: {  	[sflag:s14] =	ssyncset.done $0x0  }
0x15: {  	[sflag:s14] =	ssyncadd.s32 $0xFFFFD800  }
0x16: {  	[bflag:$0x0] =	sbarrier.arrive $0xFFFF  }
0x17: {  	[tilespmem:s3], [sflag:$0x5] =	stream.linear.gather [hbm4b:s9+s3], $0x1400, $0x38;
	[tilespmem:$0x1E800] =	vst v63  }
0x18: {  	_ =	swait.ge [sflag:s14], $0x1400  }
0x19: {  	[sflag:s14] =	ssyncset.done $0x0  }
0x1a: {  	[sflag:s14] =	ssyncadd.s32 $0xFFFFEC00  }
0x1b: {  	[tilespmem:s15], [sflag:$0x5] =	stream.linear.gather [hbm4b:s10+s3], $0x1400, $0x38;
	[tilespmem:$0x1E800] =	vst v63  }
0x1c: {  	_ =	swait.ge [sflag:s14], $0x1400  }
0x1d: {  	[sflag:s14] =	ssyncset.done $0x0  }
0x1e: {  	[sflag:s14] =	ssyncadd.s32 $0xFFFFEC00  }
0x1f: {  	[tilespmem:s17], [sflag:$0x1] =	stream.indirect.gather [hbm4b:s4+s16], $0x80, s3, s16, $0xb8;
	[tilespmem:$0x1E800] =	vst v63  }
0x20: {  	s28 =	simm.s32 $0x80  }
0x21: {  	[tilespmem:s18], [sflag:$0x2] =	stream.indirect.gather [hbm4b:s4+s16], $0x80, s28, s16, $0xb8;
	[tilespmem:$0x1E800] =	vst v63  }
0x22: {  	_ =	swait.ge [sflag:s19], $0x4000  }
0x23: {  	[sflag:s19] =	ssyncset.done $0x0  }
0x24: {  	s28 =	simm.s32 $0x1400;
	[sflag:s19] =	ssyncadd.s32 $0xFFFFC000  }
0x25: {  	[spmem:s2] =	stream.indirect.scatter.add.f32 [tilespmem:s17], [sflag:$0x3], $0x80, s28, s16, $0xb8;
	[tilespmem:$0x1E800] =	vst v63  }
0x26: {  	_ =	swait.ge [sflag:s20], $0x4000  }
0x27: {  	[sflag:s20] =	ssyncset.done $0x0  }
0x28: {  	s28 =	simm.s32 $0x100;
	[sflag:s20] =	ssyncadd.s32 $0xFFFFC000  }
0x29: {  	[tilespmem:s17], [sflag:$0x1] =	stream.indirect.gather [hbm4b:s4+s16], $0x80, s28, s16, $0xb8;
	[tilespmem:$0x1E800] =	vst v63  }
0x2a: {  	_ =	swait.ge [sflag:s21], $0x4000  }
0x2b: {  	[sflag:s21] =	ssyncset.done $0x0  }
0x2c: {  	s28 =	simm.s32 $0x1480;
	[sflag:s21] =	ssyncadd.s32 $0xFFFFC000  }
0x2d: {  	[spmem:s2] =	stream.indirect.scatter.add.f32 [tilespmem:s18], [sflag:$0x4], $0x80, s28, s16, $0xb8;
	[tilespmem:$0x1E800] =	vst v63  }
0x2e: {  	_ =	swait.ge [sflag:s22], $0x4000  }
0x2f: {  	s29 =	simm.s32 $0x800;
	s28 =	simm.s32 $0x100;
	[sflag:s22] =	ssyncset.done $0x0  }
.LBB2_2:
0x30: {  	s30 =	sadd.s32 $0x80, s28  }
0x31: {  	[sflag:s22] =	ssyncadd.s32 $0xFFFFC000;
	s31 =	smov.u32 s29;
	s0 =	sadd.s32 $0x400, s29  }
0x32: {  	[tilespmem:s18], [sflag:$0x2] =	stream.indirect.gather [hbm4b:s4+s16], $0x80, s30, s16, $0xb8;
	[tilespmem:$0x1E800] =	vst v63  }
0x33: {  	p0 =	sne.s32 s29, $0x4800;
	_ =	swait.ge [sflag:s19], $0x4000  }
0x34: {  	[sflag:s19] =	ssyncset.done $0x0  }
0x35: {  	s29 =	sadd.s32 $0x1400, s28;
	[sflag:s19] =	ssyncadd.s32 $0xFFFFC000  }
0x36: {  	[spmem:s2] =	stream.indirect.scatter.add.f32 [tilespmem:s17], [sflag:$0x3], $0x80, s29, s16, $0xb8;
	[tilespmem:$0x1E800] =	vst v63  }
0x37: {  	_ =	swait.ge [sflag:s20], $0x4000  }
0x38: {  	[sflag:s20] =	ssyncset.done $0x0  }
0x39: {  	s29 =	sadd.s32 $0x100, s28;
	[sflag:s20] =	ssyncadd.s32 $0xFFFFC000  }
0x3a: {  	[tilespmem:s17], [sflag:$0x1] =	stream.indirect.gather [hbm4b:s4+s16], $0x80, s29, s16, $0xb8;
	[tilespmem:$0x1E800] =	vst v63  }
0x3b: {  	_ =	swait.ge [sflag:s21], $0x4000  }
.Ltmp0:
0x3c: {  	[sflag:s21] =	ssyncset.done $0x0;
	(pc) =	sbr.rel @p0 .LBB2_2-.Ltmp0, $4  }
0x3d: {  	s28 =	sadd.s32 $0x1480, s28;
	[sflag:s21] =	ssyncadd.s32 $0xFFFFC000  }
0x3e: {  	[spmem:s2] =	stream.indirect.scatter.add.f32 [tilespmem:s18], [sflag:$0x4], $0x80, s28, s16, $0xb8;
	[tilespmem:$0x1E800] =	vst v63  }
0x3f: {  	_ =	swait.ge [sflag:s22], $0x4000  }
0x40: {  	s29 =	smov.u32 s0;
	s28 =	sshra.s32 s31, $0x2;
	[sflag:s22] =	ssyncset.done $0x0  }
0x41: {  	s0 =	sadd.s32 $0x80, s28;
	[sflag:s22] =	ssyncadd.s32 $0xFFFFC000  }
0x42: {  	[tilespmem:s18], [sflag:$0x2] =	stream.indirect.gather [hbm4b:s4+s16], $0x80, s0, s16, $0xb8;
	[tilespmem:$0x1E800] =	vst v63  }
0x43: {  	_ =	swait.ge [sflag:s19], $0x4000  }
0x44: {  	[sflag:s19] =	ssyncset.done $0x0  }
0x45: {  	s30 =	sadd.s32 $0x1400, s28;
	[sflag:s19] =	ssyncadd.s32 $0xFFFFC000  }
0x46: {  	[spmem:s2] =	stream.indirect.scatter.add.f32 [tilespmem:s17], [sflag:$0x3], $0x80, s30, s16, $0xb8;
	[tilespmem:$0x1E800] =	vst v63  }
0x47: {  	_ =	swait.ge [sflag:s20], $0x4000  }
0x48: {  	[sflag:s20] =	ssyncset.done $0x0  }
0x49: {  	s31 =	sadd.s32 $0x100, s28;
	[sflag:s20] =	ssyncadd.s32 $0xFFFFC000  }
0x4a: {  	[tilespmem:s17], [sflag:$0x1] =	stream.indirect.gather [hbm4b:s4+s16], $0x80, s31, s16, $0xb8;
	[tilespmem:$0x1E800] =	vst v63  }
0x4b: {  	_ =	swait.ge [sflag:s21], $0x4000  }
0x4c: {  	[sflag:s21] =	ssyncset.done $0x0  }
0x4d: {  	s30 =	sadd.s32 $0x1480, s28;
	[sflag:s21] =	ssyncadd.s32 $0xFFFFC000  }
0x4e: {  	[spmem:s2] =	stream.indirect.scatter.add.f32 [tilespmem:s18], [sflag:$0x4], $0x80, s30, s16, $0xb8;
	[tilespmem:$0x1E800] =	vst v63  }
0x4f: {  	_ =	swait.ge [sflag:s22], $0x4000  }
0x50: {  	[sflag:s22] =	ssyncset.done $0x0  }
0x51: {  	[sflag:s22] =	ssyncadd.s32 $0xFFFFC000  }
0x52: {  	[tilespmem:s18], [sflag:$0x2] =	stream.indirect.gather [hbm4b:s4+s16], $0x80, s23, s16, $0xb8;
	[tilespmem:$0x1E800] =	vst v63  }
0x53: {  	_ =	swait.ge [sflag:s19], $0x4000  }
0x54: {  	[sflag:s19] =	ssyncset.done $0x0  }
0x55: {  	[sflag:s19] =	ssyncadd.s32 $0xFFFFC000  }
0x56: {  	[spmem:s2] =	stream.indirect.scatter.add.f32 [tilespmem:s17], [sflag:$0x3], $0x80, s24, s16, $0xb8;
	[tilespmem:$0x1E800] =	vst v63  }
0x57: {  	_ =	swait.ge [sflag:s20], $0x4000  }
0x58: {  	[sflag:s20] =	ssyncset.done $0x0  }
0x59: {  	[sflag:s20] =	ssyncadd.s32 $0xFFFFC000  }
0x5a: {  	_ =	swait.ge [sflag:s21], $0x4000  }
0x5b: {  	[sflag:s21] =	ssyncset.done $0x0  }
0x5c: {  	[sflag:s21] =	ssyncadd.s32 $0xFFFFC000  }
0x5d: {  	[spmem:s2] =	stream.indirect.scatter.add.f32 [tilespmem:s18], [sflag:$0x4], $0x80, s25, s16, $0xb8;
	[tilespmem:$0x1E800] =	vst v63  }
0x5e: {  	_ =	swait.ge [sflag:s22], $0x4000  }
0x5f: {  	[sflag:s22] =	ssyncset.done $0x0  }
0x60: {  	s31 =	simm.s32 $0x0;
	[sflag:s22] =	ssyncadd.s32 $0xFFFFC000  }
0x61: {  	[tilespmem:s31], [sflag:$0x5] =	stream.linear.gather [hbm4b:s11+s31], $0x1400, $0x38;
	[tilespmem:$0x1E800] =	vst v63  }
0x62: {  	_ =	swait.ge [sflag:s14], $0x1400  }
0x63: {  	[sflag:s14] =	ssyncset.done $0x0  }
0x64: {  	[sflag:s14] =	ssyncadd.s32 $0xFFFFEC00  }
0x65: {  	[tilespmem:s15], [sflag:$0x5] =	stream.linear.gather [hbm4b:s12+s31], $0x1400, $0x38;
	[tilespmem:$0x1E800] =	vst v63  }
0x66: {  	_ =	swait.ge [sflag:s14], $0x1400  }
0x67: {  	[sflag:s14] =	ssyncset.done $0x0  }
0x68: {  	[sflag:s14] =	ssyncadd.s32 $0xFFFFEC00  }
0x69: {  	[tilespmem:s17], [sflag:$0x1] =	stream.indirect.gather [hbm4b:s4+s16], $0x80, s31, s16, $0xb8;
	[tilespmem:$0x1E800] =	vst v63  }
0x6a: {  	s30 =	simm.s32 $0x80  }
0x6b: {  	[tilespmem:s18], [sflag:$0x2] =	stream.indirect.gather [hbm4b:s4+s16], $0x80, s30, s16, $0xb8;
	[tilespmem:$0x1E800] =	vst v63  }
0x6c: {  	_ =	swait.ge [sflag:s19], $0x4000  }
0x6d: {  	[sflag:s19] =	ssyncset.done $0x0  }
0x6e: {  	s31 =	simm.s32 $0x1400;
	[sflag:s19] =	ssyncadd.s32 $0xFFFFC000  }
0x6f: {  	[spmem:s2] =	stream.indirect.scatter.add.f32 [tilespmem:s17], [sflag:$0x3], $0x80, s31, s16, $0xb8;
	[tilespmem:$0x1E800] =	vst v63  }
0x70: {  	_ =	swait.ge [sflag:s20], $0x4000  }
0x71: {  	[sflag:s20] =	ssyncset.done $0x0  }
0x72: {  	s30 =	simm.s32 $0x100;
	[sflag:s20] =	ssyncadd.s32 $0xFFFFC000  }
0x73: {  	[tilespmem:s17], [sflag:$0x1] =	stream.indirect.gather [hbm4b:s4+s16], $0x80, s30, s16, $0xb8;
	[tilespmem:$0x1E800] =	vst v63  }
0x74: {  	_ =	swait.ge [sflag:s21], $0x4000  }
0x75: {  	[sflag:s21] =	ssyncset.done $0x0  }
0x76: {  	s31 =	simm.s32 $0x1480;
	[sflag:s21] =	ssyncadd.s32 $0xFFFFC000  }
0x77: {  	[spmem:s2] =	stream.indirect.scatter.add.f32 [tilespmem:s18], [sflag:$0x4], $0x80, s31, s16, $0xb8;
	[tilespmem:$0x1E800] =	vst v63  }
0x78: {  	_ =	swait.ge [sflag:s22], $0x4000  }
0x79: {  	s29 =	simm.s32 $0x800;
	s28 =	simm.s32 $0x100;
	[sflag:s22] =	ssyncset.done $0x0  }
.LBB2_4:
0x7a: {  	s0 =	sadd.s32 $0x80, s28  }
0x7b: {  	[sflag:s22] =	ssyncadd.s32 $0xFFFFC000;
	s30 =	smov.u32 s29;
	s31 =	sadd.s32 $0x400, s29  }
0x7c: {  	[tilespmem:s18], [sflag:$0x2] =	stream.indirect.gather [hbm4b:s4+s16], $0x80, s0, s16, $0xb8;
	[tilespmem:$0x1E800] =	vst v63  }
0x7d: {  	p0 =	sne.s32 s29, $0x4800;
	_ =	swait.ge [sflag:s19], $0x4000  }
0x7e: {  	[sflag:s19] =	ssyncset.done $0x0  }
0x7f: {  	s0 =	sadd.s32 $0x1400, s28;
	[sflag:s19] =	ssyncadd.s32 $0xFFFFC000  }
0x80: {  	[spmem:s2] =	stream.indirect.scatter.add.f32 [tilespmem:s17], [sflag:$0x3], $0x80, s0, s16, $0xb8;
	[tilespmem:$0x1E800] =	vst v63  }
0x81: {  	_ =	swait.ge [sflag:s20], $0x4000  }
0x82: {  	[sflag:s20] =	ssyncset.done $0x0  }
0x83: {  	s0 =	sadd.s32 $0x100, s28;
	[sflag:s20] =	ssyncadd.s32 $0xFFFFC000  }
0x84: {  	[tilespmem:s17], [sflag:$0x1] =	stream.indirect.gather [hbm4b:s4+s16], $0x80, s0, s16, $0xb8;
	[tilespmem:$0x1E800] =	vst v63  }
0x85: {  	_ =	swait.ge [sflag:s21], $0x4000  }
.Ltmp1:
0x86: {  	[sflag:s21] =	ssyncset.done $0x0;
	(pc) =	sbr.rel @p0 .LBB2_4-.Ltmp1, $4  }
0x87: {  	s0 =	sadd.s32 $0x1480, s28;
	[sflag:s21] =	ssyncadd.s32 $0xFFFFC000  }
0x88: {  	[spmem:s2] =	stream.indirect.scatter.add.f32 [tilespmem:s18], [sflag:$0x4], $0x80, s0, s16, $0xb8;
	[tilespmem:$0x1E800] =	vst v63  }
0x89: {  	_ =	swait.ge [sflag:s22], $0x4000  }
0x8a: {  	s29 =	smov.u32 s31;
	s28 =	sshra.s32 s30, $0x2;
	[sflag:s22] =	ssyncset.done $0x0  }
0x8b: {  	s0 =	sadd.s32 $0x80, s28;
	[sflag:s22] =	ssyncadd.s32 $0xFFFFC000  }
0x8c: {  	[tilespmem:s18], [sflag:$0x2] =	stream.indirect.gather [hbm4b:s4+s16], $0x80, s0, s16, $0xb8;
	[tilespmem:$0x1E800] =	vst v63  }
0x8d: {  	_ =	swait.ge [sflag:s19], $0x4000  }
0x8e: {  	[sflag:s19] =	ssyncset.done $0x0  }
0x8f: {  	s29 =	sadd.s32 $0x1400, s28;
	[sflag:s19] =	ssyncadd.s32 $0xFFFFC000  }
0x90: {  	[spmem:s2] =	stream.indirect.scatter.add.f32 [tilespmem:s17], [sflag:$0x3], $0x80, s29, s16, $0xb8;
	[tilespmem:$0x1E800] =	vst v63  }
0x91: {  	_ =	swait.ge [sflag:s20], $0x4000  }
0x92: {  	[sflag:s20] =	ssyncset.done $0x0  }
0x93: {  	s30 =	sadd.s32 $0x100, s28;
	[sflag:s20] =	ssyncadd.s32 $0xFFFFC000  }
0x94: {  	[tilespmem:s17], [sflag:$0x1] =	stream.indirect.gather [hbm4b:s4+s16], $0x80, s30, s16, $0xb8;
	[tilespmem:$0x1E800] =	vst v63  }
0x95: {  	_ =	swait.ge [sflag:s21], $0x4000  }
0x96: {  	[sflag:s21] =	ssyncset.done $0x0  }
0x97: {  	s31 =	sadd.s32 $0x1480, s28;
	[sflag:s21] =	ssyncadd.s32 $0xFFFFC000  }
0x98: {  	[spmem:s2] =	stream.indirect.scatter.add.f32 [tilespmem:s18], [sflag:$0x4], $0x80, s31, s16, $0xb8;
	[tilespmem:$0x1E800] =	vst v63  }
0x99: {  	_ =	swait.ge [sflag:s22], $0x4000  }
0x9a: {  	[sflag:s22] =	ssyncset.done $0x0  }
0x9b: {  	[sflag:s22] =	ssyncadd.s32 $0xFFFFC000  }
0x9c: {  	[tilespmem:s18], [sflag:$0x2] =	stream.indirect.gather [hbm4b:s4+s16], $0x80, s23, s16, $0xb8;
	[tilespmem:$0x1E800] =	vst v63  }
0x9d: {  	_ =	swait.ge [sflag:s19], $0x4000  }
0x9e: {  	[sflag:s19] =	ssyncset.done $0x0  }
0x9f: {  	[sflag:s19] =	ssyncadd.s32 $0xFFFFC000  }
0xa0: {  	[spmem:s2] =	stream.indirect.scatter.add.f32 [tilespmem:s17], [sflag:$0x3], $0x80, s24, s16, $0xb8;
	[tilespmem:$0x1E800] =	vst v63  }
0xa1: {  	_ =	swait.ge [sflag:s20], $0x4000  }
0xa2: {  	[sflag:s20] =	ssyncset.done $0x0  }
0xa3: {  	[sflag:s20] =	ssyncadd.s32 $0xFFFFC000  }
0xa4: {  	_ =	swait.ge [sflag:s21], $0x4000  }
0xa5: {  	[sflag:s21] =	ssyncset.done $0x0  }
0xa6: {  	[sflag:s21] =	ssyncadd.s32 $0xFFFFC000  }
0xa7: {  	[spmem:s2] =	stream.indirect.scatter.add.f32 [tilespmem:s18], [sflag:$0x4], $0x80, s25, s16, $0xb8;
	[tilespmem:$0x1E800] =	vst v63  }
0xa8: {  	_ =	swait.ge [sflag:s22], $0x4000  }
0xa9: {  	s26 =	sadd.s32 $0x1, s26;
	[sflag:s22] =	ssyncset.done $0x0  }
0xaa: {  	p0 =	sne.s32 s26, s8;
	[sflag:s22] =	ssyncadd.s32 $0xFFFFC000  }
.Ltmp2:
0xab: {  	[bflag:$0x0] =	sbarrier.arrive $0xFFFF;
	(pc) =	sbr.rel @p0 .LBB2_1-.Ltmp2, $4  }
0xac: {  	[hbm:s7], [sflag:s6] =	dma.local [spmem:s13], $0x2800  }
0xad: {  	_ =	swait.ge [sflag:s14], $0x2800  }
0xae: {  	[sflag:s14] =	ssyncset.done $0x0  }
0xaf: {  	[sflag:s14] =	ssyncadd.s32 $0xFFFFD800  }
0xb0: {  	_ =	sfence.sel $0x180000  }
0xb1: {  	[bflag:$0x0] =	sbarrier.arrive $0xFFFF  }
0xb2: {  	_ =	strace $0x9000004D  }
0xb3: {  	[bflag:$0x2] =	sbarrier.arrive $0xFFFF  }
0xb4: {  	p0 =	sne.s32 s1, $0x0;
	s0 =	rddreg [dreg:$0x2]  }
0xb5: {  	s0 =	sadd.s32 @!p0 $0x100000, s0  }
0xb6: {  	[sflag:s0] =	ssyncadd.tile.s32 @!p0 $0x1;
	_ =	shalt  }
.Lfunc_end2:
_tile_overlayer_lowered:
.L_overlay_start_2:
0xb7: {  	(tag) =	ssettag $0x2  }
0xb8: {  	s0 =	rddreg [dreg:$0x0];
	s2 =	stileid.u32  }
0xb9: {  	s1 =	rddreg [dreg:$0x1];
	p0 =	sne.s32 s2, $0x0  }
0xba: {  	s3 =	rddreg [dreg:$0x2];
	[bflag:$0x3] =	sbarrier.arrive $0xFFFF;
	s2 =	simm.s32 @!p0 $0x1C05  }
0xbb: {  	[timem:s3], [sflag:s2] =	dma.local @!p0 [hbm:s0], s1  }
0xbc: {  	s0 =	simm.s32 @!p0 $0x5  }
0xbd: {  	_ =	swait.ge @!p0 [sflag:s0], s1  }
0xbe: {  	s1 =	ssub.s32 @!p0 $0x0, s1;
	[sflag:s0] =	ssyncset.done @!p0 $0x0  }
0xbf: {  	[sflag:s0] =	ssyncadd.s32 @!p0 s1  }
0xc0: {  	[bflag:$0x3] =	sbarrier.arrive $0xFFFF  }
0xc1: {  	_ =	shalt  }

// kernel: kernel.13.cloned.1.call-start
scs
__scs_entry_jumppad:
0x0: {  	(pc) =	sbr.rel $0x88, $3  }
0x1: {  	(tag) =	ssettag $0x0;
	lr =	simm.s32 $0x1  }
0x2: {  	[smem:$0x3F92] =	sst lr;
	_ =	strace $0xD0000000  }
0x3: {  	_ = 	snop  }
0x4: {  	_ = 	snop  }
0x5: {  	_ = 	snop  }
0x6: {  	_ = 	snop  }
0x7: {  	_ = 	snop  }
__scs_overlays_trampoline_lowered:
0x8: {  	[smem:$0x3FA1] =	sst s0  }
0x9: {  	[smem:$0x3FA2] =	sst s1  }
0xa: {  	[smem:$0x3FA3] =	sst s2  }
0xb: {  	[smem:$0x3FA4] =	sst s3  }
0xc: {  	[smem:$0x3FA5] =	sst s4  }
0xd: {  	[smem:$0x3FA6] =	sst s5  }
0xe: {  	[smem:$0x3FA7] =	sst s6  }
0xf: {  	[smem:$0x3FA8] =	sst s7  }
0x10: {  	[smem:$0x3FA9] =	sst s8  }
0x11: {  	[smem:$0x3FAA] =	sst s9;
	s0 =	simm.s32 @!p0 $0x0  }
0x12: {  	s1 =	sld [smem:$0x3F90];
	s0 =	simm.s32 @p0 $0x1  }
0x13: {  	[smem:$0x3FAB] =	sst s0;
	s0 =	simm.s32 @!p1 $0x0  }
0x14: {  	s2 =	sld [smem:$0x3F8F];
	s0 =	simm.s32 @p1 $0x1  }
0x15: {  	[smem:$0x3FAC] =	sst s0;
	s0 =	simm.s32 @!p2 $0x0  }
0x16: {  	s3 =	sld [smem:$0x3FDB];
	s0 =	simm.s32 @p2 $0x1  }
0x17: {  	s4 =	simm.s32 $0x1BF5;
	[smem:$0x3FAE] =	sst s0  }
0x18: {  	s0 =	sld [smem:$0x3F91];
	_ =	swait.ge [sflag:s4], $0x0  }
0x19: {  	s7 =	sld [smem:$0x3F92]  }
0x1a: {  	s8 =	sadd.s32 $0xFFFFE003, lr  }
0x1b: {  	s9 =	sadd.s32 $0xFFFFFEF7, lr;
	s5 =	simm.s32 $0xFFFFFFFF;
	p2 =	slt.u32 s8, $0xFFFFF086  }
0x1c: {  	p1 =	slt.u32 s9, $0xF7A;
	s5 =	simm.s32 @!p2 $0x0  }
0x1d: {  	s5 =	simm.s32 @p1 $0x1;
	p0 =	seq.s32 s7, s2  }
0x1e: {  	s7 =	smul.u32 @!p0 $0xF7A, s2;
	p2 =	seq.s32 @!p0 s5, $0x0  }
0x1f: {  	s9 =	smul.u32 $0xF7A, s1;
	s8 =	simm.s32 @!p0 $0x1BF5;
	p2 =	por !p2, p0  }
0x20: {  	[sflag:s8] =	ssyncset.s32 @!p0 $0xFFFFF086;
	s6 =	sadd.s32 @!p0 s3, s7;
	s7 =	simm.s32 @!p0 $0x108  }
0x21: {  	s3 =	sadd.s32 s3, s9;
	s6 =	sadd.s32 @!p0 $0x88, s6;
	s7 =	simm.s32 @p2 $0x1082  }
0x22: {  	[simem:s7], [sflag:s8] =	dma.local @!p0 [hbm:s6], $0xF7A  }
0x23: {  	s9 =	sor.u32 $0xD0000000, s2;
	s6 =	simm.s32 $0x108;
	_ =	swait.ge @!p0 [sflag:s8], $0x0  }
0x24: {  	s3 =	sadd.s32 $0x88, s3;
	s6 =	simm.s32 @!p1 $0x1082;
	[sflag:s4] =	ssyncset.s32 $0xFFFFF086  }
0x25: {  	[simem:s6], [sflag:s4] =	dma.local [hbm:s3], $0xF7A  }
0x26: {  	[smem:$0x3F92] =	sst s1;
	(tag) =	ssettag s2;
	_ =	strace s9  }
0x27: {  	s1 =	sld [smem:$0x3FA2]  }
0x28: {  	s2 =	sld [smem:$0x3FA3]  }
0x29: {  	s4 =	sld [smem:$0x3FA5]  }
0x2a: {  	p0 =	seq.s32 s5, $0x0;
	s5 =	sld [smem:$0x3FA6]  }
0x2b: {  	s6 =	sld [smem:$0x3FA7]  }
0x2c: {  	s7 =	sld [smem:$0x3FA8]  }
0x2d: {  	s3 =	simm.s32 $0x108;
	s8 =	sld [smem:$0x3FA9]  }
0x2e: {  	s3 =	simm.s32 @!p0 $0x1082;
	s9 =	sld [smem:$0x3FAA]  }
0x2f: {  	lr =	sadd.s32 s0, s3;
	s0 =	sld [smem:$0x3FA1]  }
0x30: {  	s3 =	sld [smem:$0x3FA4]  }
0x31: {  	[smem:$0x3FAD] =	sst s10  }
0x32: {  	s10 =	sld [smem:$0x3FAB];
	_ =	sdelay $0x3  }
0x33: {  	p0 =	seq.s32 s10, $0x1;
	s10 =	sld [smem:$0x3FAD];
	_ =	sdelay $0x3  }
0x34: {  	[smem:$0x3FAD] =	sst s10  }
0x35: {  	s10 =	sld [smem:$0x3FAC];
	_ =	sdelay $0x3  }
0x36: {  	p1 =	seq.s32 s10, $0x1;
	s10 =	sld [smem:$0x3FAD];
	_ =	sdelay $0x3  }
0x37: {  	[smem:$0x3FAD] =	sst s10  }
0x38: {  	s10 =	sld [smem:$0x3FAE]  }
0x39: {  	_ = 	snop;
	(pc) =	sbr.ind lr, $3  }
0x3a: {  	_ = 	snop  }
0x3b: {  	_ = 	snop  }
0x3c: {  	p2 =	seq.s32 s10, $0x1;
	s10 =	sld [smem:$0x3FAD]  }
0x3d: {  	_ =	shalt  }
0x3e: {  	_ =	shalt  }
0x3f: {  	_ =	shalt  }
0x40: {  	_ =	shalt  }
0x41: {  	_ =	shalt  }
0x42: {  	_ =	shalt  }
0x43: {  	_ =	shalt  }
0x44: {  	_ =	shalt  }
0x45: {  	_ =	shalt  }
0x46: {  	_ =	shalt  }
0x47: {  	_ =	shalt  }
0x48: {  	_ =	shalt  }
0x49: {  	_ =	shalt  }
0x4a: {  	_ =	shalt  }
0x4b: {  	_ =	shalt  }
0x4c: {  	_ =	shalt  }
0x4d: {  	_ =	shalt  }
0x4e: {  	_ =	shalt  }
0x4f: {  	_ =	shalt  }
0x50: {  	_ =	shalt  }
0x51: {  	_ =	shalt  }
0x52: {  	_ =	shalt  }
0x53: {  	_ =	shalt  }
0x54: {  	_ =	shalt  }
0x55: {  	_ =	shalt  }
0x56: {  	_ =	shalt  }
0x57: {  	_ =	shalt  }
0x58: {  	_ =	shalt  }
0x59: {  	_ =	shalt  }
0x5a: {  	_ =	shalt  }
0x5b: {  	_ =	shalt  }
0x5c: {  	_ =	shalt  }
0x5d: {  	_ =	shalt  }
0x5e: {  	_ =	shalt  }
0x5f: {  	_ =	shalt  }
0x60: {  	_ =	shalt  }
0x61: {  	_ =	shalt  }
0x62: {  	_ =	shalt  }
0x63: {  	_ =	shalt  }
0x64: {  	_ =	shalt  }
0x65: {  	_ =	shalt  }
0x66: {  	_ =	shalt  }
0x67: {  	_ =	shalt  }
0x68: {  	_ =	shalt  }
0x69: {  	_ =	shalt  }
0x6a: {  	_ =	shalt  }
0x6b: {  	_ =	shalt  }
0x6c: {  	_ =	shalt  }
0x6d: {  	_ =	shalt  }
0x6e: {  	_ =	shalt  }
0x6f: {  	_ =	shalt  }
0x70: {  	_ =	shalt  }
0x71: {  	_ =	shalt  }
0x72: {  	_ =	shalt  }
0x73: {  	_ =	shalt  }
0x74: {  	_ =	shalt  }
0x75: {  	_ =	shalt  }
0x76: {  	_ =	shalt  }
0x77: {  	_ =	shalt  }
0x78: {  	_ =	shalt  }
0x79: {  	_ =	shalt  }
0x7a: {  	_ =	shalt  }
0x7b: {  	_ =	shalt  }
0x7c: {  	_ =	shalt  }
0x7d: {  	_ =	shalt  }
0x7e: {  	_ =	shalt  }
0x7f: {  	_ =	shalt  }
0x80: {  	_ =	shalt  }
0x81: {  	_ =	shalt  }
0x82: {  	_ =	shalt  }
0x83: {  	_ =	shalt  }
0x84: {  	_ =	shalt  }
0x85: {  	_ =	shalt  }
0x86: {  	_ =	shalt  }
0x87: {  	_ =	shalt  }
.Lfunc_end0:
.L_simem_size_0:
called_computation.2_lowered:
.L_overlay_start_0:
0x88: {  	s2 =	sld [smem:$0x3FD9]  }
0x89: {  	s3 =	sld [smem:$0x3FFE];
	_ =	sdelay $0x1  }
0x8a: {  	s1 =	srdreg.scid  }
0x8b: {  	s0 =	sand.u32 $0x1, s1  }
0x8c: {  	s16 =	sshll.u32 s0, $0xA;
	s2 =	sadd.s32 s3, s2  }
0x8d: {  	s2 =	sadd.s32 s2, s16  }
0x8e: {  	[smem:$0x3FB9] =	sst s2  }
0x8f: {  	_ = 	snop  }
0x90: {  	(tm) =	ssettm $0x1  }
0x91: {  	s17 =	sld [smem:$0x3FFB];
	_ =	sdelay $0x3  }
0x92: {  	_ =	strace s17  }
0x93: {  	s2 =	sld [smem:$0x3FFC];
	_ =	sdelay $0x3  }
0x94: {  	_ =	strace s2  }
0x95: {  	s2 =	sld [smem:$0x3FFD];
	_ =	sdelay $0x3  }
0x96: {  	_ =	strace s2  }
0x97: {  	_ =	strace $0x8FFFFFFF  }
0x98: {  	s18 =	sld [smem:$0x3FDB];
	_ =	sdelay $0x1  }
0x99: {  	s19 =	simm.s32 $_scs_section_size  }
0x9a: {  	s4 =	simm.s32 $_size__tile_overlayer_lowered;
	s5 =	simm.s32 $_tile_overlayer_lowered  }
0x9b: {  	s22 =	simm.s32 $0x1BFF;
	s21 =	sshll.u32 s5, $0x1;
	s2 =	sadd.s32 s19, s18  }
0x9c: {  	s6 =	simm.s32 $0x0;
	s20 =	sshll.u32 s4, $0x1;
	s4 =	sadd.s32 s21, s2  }
0x9d: {  	[timem:s6], [sflag:s22] =	dma.local [hbm:s4], s20  }
0x9e: {  	_ =	swait.ge [sflag:s22], s20  }
0x9f: {  	s3 =	ssub.s32 $0x0, s20;
	[sflag:s22] =	ssyncset.done $0x0  }
0xa0: {  	[sflag:s22] =	ssyncadd.s32 s3;
	_ =	sdelay $0x1  }
0xa1: {  	s23 =	simm.s32 $0x1B8B  }
0xa2: {  	_ =	swait.ge [sflag:s23], $0x1  }
0xa3: {  	[sflag:s23] =	ssyncset.done $0x0  }
0xa4: {  	s25 =	simm.s32 $0x1B8E;
	s24 =	sld [smem:$0x3FFE];
	[sflag:s23] =	ssyncadd.s32 $0xFFFFFFFF  }
0xa5: {  	s26 =	simm.s32 $execute0_lowered;
	[smem:$0x3FD2] =	sst s25  }
0xa6: {  	s4 =	sshll.u32 s26, $0x1;
	_ =	strace $0x80000049;
	[dreg:$0x1] =	wrdreg $0xFFFFFFFF  }
0xa7: {  	s28 =	simm.s32 $_size_execute0_lowered;
	s2 =	sadd.s32 s2, s4;
	[dreg:$0x0] =	wrdreg $0x0  }
0xa8: {  	s4 =	sshll.u32 s28, $0x1;
	[dreg:$0x2] =	wrdreg s2  }
0xa9: {  	[dreg:$0x3] =	wrdreg s4  }
0xaa: {  	[dreg:$0x4] =	wrdreg $0xC0  }
0xab: {  	_ =	task [dreg:s6], $0x5FFFF  }
0xac: {  	[dreg:$0x1] =	wrdreg $0xFFFFFFFF  }
0xad: {  	[dreg:$0x0] =	wrdreg $0x60  }
0xae: {  	[dreg:$0x2] =	wrdreg s24  }
0xaf: {  	[dreg:$0x3] =	wrdreg $0x53000  }
0xb0: {  	[dreg:$0x4] =	wrdreg $0xF5800  }
0xb1: {  	[dreg:$0x5] =	wrdreg $0xF8000  }
0xb2: {  	[dreg:$0x6] =	wrdreg $0xA  }
0xb3: {  	_ =	task.clear_ibuf [dreg:s6], $0x7FFFF;
	_ =	strace $0x90000049  }
0xb4: {  	s29 =	simm.s32 $0xA;
	_ =	strace $0x8000004B  }
0xb5: {  	_ =	swait.ge [sflag:s29], $0x1  }
0xb6: {  	[sflag:s29] =	ssyncadd.s32 $0xFFFFFFFF  }
0xb7: {  	_ =	strace $0x9000004B  }
0xb8: {  	_ =	sfence  }
0xb9: {  	s30 =	sld [smem:$0x0];
	_ =	sdelay $0x2  }
0xba: {  	s31 =	sshll.u32 s1, $0xD;
	s1 =	sshrl.u32 s1, $0x2  }
0xbb: {  	s3 =	sand.u32 $0x4000, s31;
	s1 =	sadd.s32 s1, s30  }
0xbc: {  	s0 =	sor.u32 s3, s0;
	s1 =	sshll.u32 s1, $0x11  }
0xbd: {  	s0 =	sor.u32 s1, s0  }
0xbe: {  	s0 =	sadd.s32 $0x8F2B, s0  }
0xbf: {  	[sflag:s0] =	ssyncadd.remote.s32 $0x1  }
0xc0: {  	_ =	sfence.sel $0xFFFF  }
0xc1: {  	[dreg:$0x0] =	wrdreg $0xFFFFFFFF;
	(pc) =	sbr.abs _section_cstart, $3  }
0xc2: {  	[dreg:$0x1] =	wrdreg $0xFFFFFFFF  }
0xc3: {  	_ =	task.clear_ibuf [dreg:s6], $0x2FFFF;
	_ =	strace $0x9FFFFFFF  }
0xc4: {  	(tm) =	ssettm $0x7FFFFFFF  }
0xc5: {  	_ =	shalt  }
tec
execute0_lowered:
.L_overlay_start_1:
0x0: {  	(tag) =	ssettag $0x1  }
0x1: {  	s0 =	rddreg [dreg:$0x0]  }
0x2: {  	s2 =	rddreg [dreg:$0x1]  }
0x3: {  	s3 =	rddreg [dreg:$0x2]  }
0x4: {  	s4 =	rddreg [dreg:$0x3]  }
0x5: {  	s15 =	stileid.u32;
	s5 =	simm.s32 $0x0;
	s6 =	srdreg.scid  }
0x6: {  	s19 =	simm.s32 $0x80;
	s28 =	simm.s32 $0x5100;
	s29 =	simm.s32 $0x5  }
0x7: {  	s30 =	simm.s32 $0x3;
	s31 =	simm.s32 $0x4;
	s1 =	smul.u32 $0x280, s15  }
0x8: {  	s18 =	simm.s32 $0x0;
	[smem:$0x7FF] =	sst s5;
	s7 =	smul.u32 $0xA280, s15  }
0x9: {  	s6 =	sand.u32 $0x1, s6;
	s13 =	smul.u32 $0xA000, s15;
	s22 =	sshll.u32 s15, $0x6  }
0xa: {  	_ =	strace $0x8000004A;
	s8 =	smul.u32 $0xA0000, s6;
	s10 =	sshll.u32 s6, $0x4  }
0xb: {  	s6 =	ssub.s32 $0x2, s6;
	s9 =	sshrl.u32 s1, $0x3;
	s11 =	sshrl.u32 s7, $0x3  }
0xc: {  	s10 =	sor.u32 s15, s10;
	s12 =	sshrl.u32 s6, $0x1;
	s20 =	sadd.s32 s7, s2  }
0xd: {  	s7 =	sor.u32 $0x1C07, s22;
	s16 =	sadd.s32 s1, s3;
	s1 =	sadd.s32 s1, s4  }
0xe: {  	s26 =	sadd.s32 s13, s2;
	s15 =	simm.s32 $0x7;
	s22 =	simm.s32 $0x5180  }
0xf: {  	s9 =	sadd.s32 s9, s0;
	s10 =	smul.u32 $0x500, s10;
	s8 =	sadd.s32 s13, s8  }
0x10: {  	s11 =	sadd.s32 s11, s0;
	s6 =	ssub.s32 s6, s12;
	s16 =	sshrl.u32 s16, $0x3  }
0x11: {  	s17 =	sshrl.u32 s1, $0x3;
	s1 =	simm.s32 $0x6;
	s21 =	sadd.s32 $0x51000, s11  }
0x12: {  	s8 =	sshrl.u32 s8, $0x3;
	s23 =	sadd.s32 $0x1EA00, s9;
	[dreg:$0x5] =	wrdreg s21  }
0x13: {  	s9 =	sadd.s32 $0x17200, s9;
	s13 =	smax.u32 s6, $0x1;
	[dreg:$0x6] =	wrdreg s23  }
0x14: {  	s14 =	sadd.s32 s10, s0;
	s0 =	sadd.s32 s8, s0;
	[dreg:$0x7] =	wrdreg s9  }
0x15: {  	s21 =	simm.s32 $0x5080;
	s23 =	simm.s32 $0x5200;
	s24 =	sadd.s32 $0xD200, s14  }
0x16: {  	s25 =	sadd.s32 $0x1F000, s14;
	s12 =	sadd.s32 $0x65600, s0;
	[dreg:$0x8] =	wrdreg s24  }
0x17: {  	s14 =	sshrl.u32 s20, $0x3;
	s0 =	simm.s32 $0x5280;
	[dreg:$0x9] =	wrdreg s25  }
0x18: {  	s24 =	simm.s32 $0x1;
	s25 =	sshrl.u32 s26, $0x3;
	s26 =	simm.s32 $0x2  }
.LBB2_1:
0x19: {  	s6 =	rddreg [dreg:$0x5]  }
0x1a: {  	[spmem:s14], [sflag:s7] =	dma.local [hbm:s6], $0x1450  }
0x1b: {  	_ =	swait.ge [sflag:s15], $0x1450  }
0x1c: {  	[sflag:s15] =	ssyncset.done $0x0  }
0x1d: {  	s9 =	rddreg [dreg:$0x6];
	[sflag:s15] =	ssyncadd.s32 $0xFFFFEBB0  }
0x1e: {  	[spmem:s16], [sflag:s7] =	dma.local [hbm:s9], $0x50  }
0x1f: {  	_ =	swait.ge [sflag:s15], $0x50  }
0x20: {  	[sflag:s15] =	ssyncset.done $0x0  }
0x21: {  	s10 =	rddreg [dreg:$0x7];
	[sflag:s15] =	ssyncadd.s32 $0xFFFFFFB0  }
0x22: {  	[spmem:s17], [sflag:s7] =	dma.local [hbm:s10], $0x50  }
0x23: {  	_ =	swait.ge [sflag:s15], $0x50  }
0x24: {  	[sflag:s15] =	ssyncset.done $0x0  }
0x25: {  	s11 =	rddreg [dreg:$0x8];
	[sflag:s15] =	ssyncadd.s32 $0xFFFFFFB0  }
0x26: {  	[tilespmem:s5], [sflag:$0x7] =	stream.linear.gather [hbm4b:s11+s5], $0x2800, $0x38;
	[tilespmem:$0xFA80] =	vst v63  }
0x27: {  	_ =	swait.ge [sflag:s15], $0x2800  }
0x28: {  	[sflag:s15] =	ssyncset.done $0x0  }
0x29: {  	s8 =	simm.s32 $0x2800;
	s20 =	rddreg [dreg:$0x9];
	[sflag:s15] =	ssyncadd.s32 $0xFFFFD800  }
0x2a: {  	[tilespmem:s8], [sflag:$0x7] =	stream.linear.gather [hbm4b:s20+s5], $0x2800, $0x38;
	[tilespmem:$0xFA80] =	vst v63  }
0x2b: {  	_ =	swait.ge [sflag:s15], $0x2800  }
0x2c: {  	[sflag:s15] =	ssyncset.done $0x0  }
0x2d: {  	[sflag:s15] =	ssyncadd.s32 $0xFFFFD800  }
0x2e: {  	s9 =	simm.s32 $0x5000;
	[bflag:$0x0] =	sbarrier.arrive $0xFFFF  }
0x2f: {  	[tilespmem:s9], [sflag:$0x1] =	stream.indirect.gather [spmem:s3], $0x1, s5, s19, $0xb8;
	[tilespmem:$0xFA80] =	vst v63  }
0x30: {  	_ = 	snop  }
0x31: {  	[tilespmem:s21], [sflag:$0x2] =	stream.indirect.gather [spmem:s4], $0x1, s5, s19, $0xb8;
	[tilespmem:$0xFA80] =	vst v63  }
0x32: {  	s10 =	simm.s32 $0x80  }
0x33: {  	[tilespmem:s22], [sflag:$0x3] =	stream.indirect.gather [spmem:s3], $0x1, s10, s19, $0xb8;
	[tilespmem:$0xFA80] =	vst v63  }
0x34: {  	_ = 	snop  }
0x35: {  	[tilespmem:s23], [sflag:$0x4] =	stream.indirect.gather [spmem:s4], $0x1, s10, s19, $0xb8;
	[tilespmem:$0xFA80] =	vst v63  }
0x36: {  	_ =	swait.ge [sflag:s24], $0x80  }
0x37: {  	[sflag:s24] =	ssyncset.done $0x0  }
0x38: {  	[sflag:s24] =	ssyncadd.s32 $0xFFFFFF80  }
0x39: {  	_ =	swait.ge [sflag:s26], $0x80  }
0x3a: {  	[sflag:s26] =	ssyncset.done $0x0  }
0x3b: {  	[sflag:s26] =	ssyncadd.s32 $0xFFFFFF80  }
0x3c: {  	s11 =	simm.s32 $0x0;
	v0 =	vld [tilespmem:$0x5000]  }
0x3d: {  	v1 =	vld [tilespmem:s11+$0x2800];
	_ =	sdelay $0x4  }
0x3e: {  	v0 =	vadd.s32 v0, v1  }
0x3f: {  	v41 =	vld [tilespmem:$0x5010];
	[tilespmem:$0x5100] =	vst v0  }
0x40: {  	v42 =	vld [tilespmem:s11+$0x2810];
	_ =	sdelay $0x4  }
0x41: {  	v0 =	vadd.s32 v41, v42  }
0x42: {  	v43 =	vld [tilespmem:$0x5020];
	[tilespmem:$0x5110] =	vst v0  }
0x43: {  	v44 =	vld [tilespmem:s11+$0x2820];
	_ =	sdelay $0x4  }
0x44: {  	v0 =	vadd.s32 v43, v44  }
0x45: {  	v45 =	vld [tilespmem:$0x5030];
	[tilespmem:$0x5120] =	vst v0  }
0x46: {  	v46 =	vld [tilespmem:s11+$0x2830];
	_ =	sdelay $0x4  }
0x47: {  	v0 =	vadd.s32 v45, v46  }
0x48: {  	v47 =	vld [tilespmem:$0x5040];
	[tilespmem:$0x5130] =	vst v0  }
0x49: {  	v48 =	vld [tilespmem:s11+$0x2840];
	_ =	sdelay $0x4  }
0x4a: {  	v0 =	vadd.s32 v47, v48  }
0x4b: {  	v49 =	vld [tilespmem:$0x5050];
	[tilespmem:$0x5140] =	vst v0  }
0x4c: {  	v50 =	vld [tilespmem:s11+$0x2850];
	_ =	sdelay $0x4  }
0x4d: {  	v0 =	vadd.s32 v49, v50  }
0x4e: {  	v51 =	vld [tilespmem:$0x5060];
	[tilespmem:$0x5150] =	vst v0  }
0x4f: {  	v52 =	vld [tilespmem:s11+$0x2860];
	_ =	sdelay $0x4  }
0x50: {  	v0 =	vadd.s32 v51, v52  }
0x51: {  	v53 =	vld [tilespmem:$0x5070];
	[tilespmem:$0x5160] =	vst v0  }
0x52: {  	v54 =	vld [tilespmem:s11+$0x2870];
	_ =	sdelay $0x4  }
0x53: {  	v0 =	vadd.s32 v53, v54  }
0x54: {  	[tilespmem:$0x5170] =	vst v0  }
0x55: {  	[spmem:s2] =	stream.indirect.scatter.add.f32 [tilespmem:s21], [sflag:$0x5], $0x1, s28, s19, $0xb8;
	[tilespmem:$0xFA80] =	vst v63  }
0x56: {  	p0 =	por $0x0, $0x0;
	_ =	swait.ge [sflag:s29], $0x80  }
0x57: {  	s8 =	simm.s32 @!p0 $0x5000;
	[sflag:s29] =	ssyncset.done $0x0  }
0x58: {  	s20 =	simm.s32 @!p0 $0x100;
	s9 =	simm.s32 @!p0 $0x80;
	[sflag:s29] =	ssyncadd.s32 $0xFFFFFF80  }
0x59: {  	[tilespmem:s8], [sflag:$0x1] =	stream.indirect.gather @!p0 [spmem:s3], $0x1, s20, s9, $0xb8;
	[tilespmem:$0xFA80] =	vst v63  }
0x5a: {  	s8 =	simm.s32 @!p0 $0x5080  }
0x5b: {  	[tilespmem:s8], [sflag:$0x2] =	stream.indirect.gather @!p0 [spmem:s4], $0x1, s20, s9, $0xb8;
	[tilespmem:$0xFA80] =	vst v63  }
0x5c: {  	_ =	swait.ge [sflag:s30], $0x80  }
0x5d: {  	[sflag:s30] =	ssyncset.done $0x0  }
0x5e: {  	[sflag:s30] =	ssyncadd.s32 $0xFFFFFF80  }
0x5f: {  	_ =	swait.ge [sflag:s31], $0x80  }
0x60: {  	[sflag:s31] =	ssyncset.done $0x0  }
0x61: {  	[sflag:s31] =	ssyncadd.s32 $0xFFFFFF80  }
0x62: {  	v55 =	vld [tilespmem:$0x5180]  }
0x63: {  	v56 =	vld [tilespmem:s11+$0x2880];
	_ =	sdelay $0x4  }
0x64: {  	v0 =	vadd.s32 v55, v56  }
0x65: {  	v57 =	vld [tilespmem:$0x5190];
	[tilespmem:$0x5280] =	vst v0  }
0x66: {  	v0 =	vld [tilespmem:s11+$0x2890];
	_ =	sdelay $0x4  }
0x67: {  	v0 =	vadd.s32 v57, v0  }
0x68: {  	v58 =	vld [tilespmem:$0x51A0];
	[tilespmem:$0x5290] =	vst v0  }
0x69: {  	v0 =	vld [tilespmem:s11+$0x28A0];
	_ =	sdelay $0x4  }
0x6a: {  	v0 =	vadd.s32 v58, v0  }
0x6b: {  	v59 =	vld [tilespmem:$0x51B0];
	[tilespmem:$0x52A0] =	vst v0  }
0x6c: {  	v0 =	vld [tilespmem:s11+$0x28B0];
	_ =	sdelay $0x4  }
0x6d: {  	v0 =	vadd.s32 v59, v0  }
0x6e: {  	v60 =	vld [tilespmem:$0x51C0];
	[tilespmem:$0x52B0] =	vst v0  }
0x6f: {  	v0 =	vld [tilespmem:s11+$0x28C0];
	_ =	sdelay $0x4  }
0x70: {  	v0 =	vadd.s32 v60, v0  }
0x71: {  	v61 =	vld [tilespmem:$0x51D0];
	[tilespmem:$0x52C0] =	vst v0  }
0x72: {  	v0 =	vld [tilespmem:s11+$0x28D0];
	_ =	sdelay $0x4  }
0x73: {  	v0 =	vadd.s32 v61, v0  }
0x74: {  	v62 =	vld [tilespmem:$0x51E0];
	[tilespmem:$0x52D0] =	vst v0  }
0x75: {  	v0 =	vld [tilespmem:s11+$0x28E0];
	_ =	sdelay $0x4  }
0x76: {  	v0 =	vadd.s32 v62, v0  }
0x77: {  	v63 =	vld [tilespmem:$0x51F0];
	[tilespmem:$0x52E0] =	vst v0  }
0x78: {  	v0 =	vld [tilespmem:s11+$0x28F0];
	_ =	sdelay $0x4  }
0x79: {  	v0 =	vadd.s32 v63, v0  }
0x7a: {  	s20 =	simm.s32 $0x400;
	[tilespmem:$0x52F0] =	vst v0  }
0x7b: {  	[spmem:s2] =	stream.indirect.scatter.add.f32 [tilespmem:s23], [sflag:$0x6], $0x1, s0, s19, $0xb8;
	[tilespmem:$0xFA80] =	vst v63  }
.LBB2_2:
0x7c: {  	_ =	swait.ge [sflag:s1], $0x80;
	s8 =	smov.u32 s20;
	s20 =	sadd.s32 $0x400, s20  }
0x7d: {  	s6 =	sshra.s32 s8, $0x2;
	p0 =	sne.s32 s20, $0xA000;
	[sflag:s1] =	ssyncset.done $0x0  }
0x7e: {  	s9 =	sadd.s32 $0x80, s6;
	[sflag:s1] =	ssyncadd.s32 $0xFFFFFF80  }
0x7f: {  	[tilespmem:s22], [sflag:$0x3] =	stream.indirect.gather [spmem:s3], $0x1, s9, s19, $0xb8;
	[tilespmem:$0xFA80] =	vst v63  }
0x80: {  	_ = 	snop  }
0x81: {  	[tilespmem:s23], [sflag:$0x4] =	stream.indirect.gather [spmem:s4], $0x1, s9, s19, $0xb8;
	[tilespmem:$0xFA80] =	vst v63  }
0x82: {  	_ =	swait.ge [sflag:s24], $0x80  }
0x83: {  	[sflag:s24] =	ssyncset.done $0x0  }
0x84: {  	[sflag:s24] =	ssyncadd.s32 $0xFFFFFF80  }
0x85: {  	_ =	swait.ge [sflag:s26], $0x80  }
0x86: {  	[sflag:s26] =	ssyncset.done $0x0  }
0x87: {  	[sflag:s26] =	ssyncadd.s32 $0xFFFFFF80  }
0x88: {  	v0 =	vld [tilespmem:$0x5000]  }
0x89: {  	v1 =	vld [tilespmem:s6+$0x2800];
	_ =	sdelay $0x4  }
0x8a: {  	v0 =	vadd.s32 v0, v1  }
0x8b: {  	[tilespmem:$0x5100] =	vst v0;
	v0 =	vld [tilespmem:$0x5010]  }
0x8c: {  	v1 =	vld [tilespmem:s6+$0x2810];
	_ =	sdelay $0x4  }
0x8d: {  	v0 =	vadd.s32 v0, v1  }
0x8e: {  	[tilespmem:$0x5110] =	vst v0;
	v0 =	vld [tilespmem:$0x5020]  }
0x8f: {  	v1 =	vld [tilespmem:s6+$0x2820];
	_ =	sdelay $0x4  }
0x90: {  	v0 =	vadd.s32 v0, v1  }
0x91: {  	[tilespmem:$0x5120] =	vst v0;
	v0 =	vld [tilespmem:$0x5030]  }
0x92: {  	v1 =	vld [tilespmem:s6+$0x2830];
	_ =	sdelay $0x4  }
0x93: {  	v0 =	vadd.s32 v0, v1  }
0x94: {  	[tilespmem:$0x5130] =	vst v0;
	v0 =	vld [tilespmem:$0x5040]  }
0x95: {  	v1 =	vld [tilespmem:s6+$0x2840];
	_ =	sdelay $0x4  }
0x96: {  	v0 =	vadd.s32 v0, v1  }
0x97: {  	[tilespmem:$0x5140] =	vst v0;
	v0 =	vld [tilespmem:$0x5050]  }
0x98: {  	v1 =	vld [tilespmem:s6+$0x2850];
	_ =	sdelay $0x4  }
0x99: {  	v0 =	vadd.s32 v0, v1  }
0x9a: {  	[tilespmem:$0x5150] =	vst v0;
	v0 =	vld [tilespmem:$0x5060]  }
0x9b: {  	v1 =	vld [tilespmem:s6+$0x2860];
	_ =	sdelay $0x4  }
0x9c: {  	v0 =	vadd.s32 v0, v1  }
0x9d: {  	[tilespmem:$0x5160] =	vst v0;
	v0 =	vld [tilespmem:$0x5070]  }
0x9e: {  	v1 =	vld [tilespmem:s6+$0x2870];
	_ =	sdelay $0x4  }
0x9f: {  	v0 =	vadd.s32 v0, v1  }
0xa0: {  	p1 =	seq.s32 s8, $0x9C00;
	[tilespmem:$0x5170] =	vst v0  }
0xa1: {  	[spmem:s2] =	stream.indirect.scatter.add.f32 [tilespmem:s21], [sflag:$0x5], $0x1, s28, s19, $0xb8;
	[tilespmem:$0xFA80] =	vst v63  }
0xa2: {  	s8 =	sshra.s32 @!p1 s8, $0x2;
	s9 =	simm.s32 @!p1 $0x5000;
	_ =	swait.ge [sflag:s29], $0x80  }
0xa3: {  	s10 =	simm.s32 @!p1 $0x80;
	s8 =	sadd.s32 @!p1 $0x100, s8;
	[sflag:s29] =	ssyncset.done $0x0  }
0xa4: {  	s11 =	simm.s32 @!p1 $0x5080;
	[sflag:s29] =	ssyncadd.s32 $0xFFFFFF80  }
0xa5: {  	[tilespmem:s9], [sflag:$0x1] =	stream.indirect.gather @!p1 [spmem:s3], $0x1, s8, s10, $0xb8;
	[tilespmem:$0xFA80] =	vst v63  }
0xa6: {  	_ = 	snop  }
0xa7: {  	[tilespmem:s11], [sflag:$0x2] =	stream.indirect.gather @!p1 [spmem:s4], $0x1, s8, s10, $0xb8;
	[tilespmem:$0xFA80] =	vst v63  }
0xa8: {  	_ =	swait.ge [sflag:s30], $0x80  }
0xa9: {  	[sflag:s30] =	ssyncset.done $0x0  }
0xaa: {  	[sflag:s30] =	ssyncadd.s32 $0xFFFFFF80  }
0xab: {  	_ =	swait.ge [sflag:s31], $0x80  }
0xac: {  	[sflag:s31] =	ssyncset.done $0x0  }
0xad: {  	[sflag:s31] =	ssyncadd.s32 $0xFFFFFF80  }
0xae: {  	v0 =	vld [tilespmem:$0x5180]  }
0xaf: {  	v1 =	vld [tilespmem:s6+$0x2880];
	_ =	sdelay $0x4  }
0xb0: {  	v0 =	vadd.s32 v0, v1;
	v1 =	vld [tilespmem:$0x5190]  }
0xb1: {  	[tilespmem:$0x5280] =	vst v0  }
0xb2: {  	v0 =	vld [tilespmem:s6+$0x2890];
	_ =	sdelay $0x4  }
0xb3: {  	v0 =	vadd.s32 v1, v0;
	v1 =	vld [tilespmem:$0x51A0]  }
0xb4: {  	[tilespmem:$0x5290] =	vst v0  }
0xb5: {  	v0 =	vld [tilespmem:s6+$0x28A0];
	_ =	sdelay $0x4  }
0xb6: {  	v0 =	vadd.s32 v1, v0;
	v1 =	vld [tilespmem:$0x51B0]  }
0xb7: {  	[tilespmem:$0x52A0] =	vst v0  }
0xb8: {  	v0 =	vld [tilespmem:s6+$0x28B0];
	_ =	sdelay $0x4  }
0xb9: {  	v0 =	vadd.s32 v1, v0;
	v1 =	vld [tilespmem:$0x51C0]  }
0xba: {  	[tilespmem:$0x52B0] =	vst v0  }
0xbb: {  	v0 =	vld [tilespmem:s6+$0x28C0];
	_ =	sdelay $0x4  }
0xbc: {  	v0 =	vadd.s32 v1, v0;
	v1 =	vld [tilespmem:$0x51D0]  }
0xbd: {  	[tilespmem:$0x52C0] =	vst v0  }
0xbe: {  	v0 =	vld [tilespmem:s6+$0x28D0];
	_ =	sdelay $0x4  }
0xbf: {  	v0 =	vadd.s32 v1, v0;
	v1 =	vld [tilespmem:$0x51E0]  }
0xc0: {  	[tilespmem:$0x52D0] =	vst v0  }
0xc1: {  	v0 =	vld [tilespmem:s6+$0x28E0];
	_ =	sdelay $0x4  }
0xc2: {  	v0 =	vadd.s32 v1, v0;
	v1 =	vld [tilespmem:$0x51F0]  }
0xc3: {  	[tilespmem:$0x52E0] =	vst v0  }
0xc4: {  	v0 =	vld [tilespmem:s6+$0x28F0];
	_ =	sdelay $0x2  }
.Ltmp0:
0xc5: {  	(pc) =	sbr.rel @p0 .LBB2_2-.Ltmp0, $4  }
0xc6: {  	_ = 	snop  }
0xc7: {  	v0 =	vadd.s32 v1, v0  }
0xc8: {  	[tilespmem:$0x52F0] =	vst v0  }
0xc9: {  	[spmem:s2] =	stream.indirect.scatter.add.f32 [tilespmem:s23], [sflag:$0x6], $0x1, s0, s19, $0xb8;
	[tilespmem:$0xFA80] =	vst v63  }
0xca: {  	_ =	swait.ge [sflag:s1], $0x80  }
0xcb: {  	s18 =	sadd.s32 $0x1, s18;
	[sflag:s1] =	ssyncset.done $0x0  }
0xcc: {  	p0 =	sne.s32 s18, s13;
	[sflag:s1] =	ssyncadd.s32 $0xFFFFFF80  }
.Ltmp1:
0xcd: {  	[bflag:$0x0] =	sbarrier.arrive $0xFFFF;
	(pc) =	sbr.rel @p0 .LBB2_1-.Ltmp1, $4  }
0xce: {  	[hbm:s12], [sflag:s7] =	dma.local [spmem:s25], $0x1400  }
0xcf: {  	_ =	swait.ge [sflag:s15], $0x1400  }
0xd0: {  	[sflag:s15] =	ssyncset.done $0x0  }
0xd1: {  	[sflag:s15] =	ssyncadd.s32 $0xFFFFEC00  }
0xd2: {  	_ =	sfence.sel $0x180000  }
0xd3: {  	[bflag:$0x0] =	sbarrier.arrive $0xFFFF  }
0xd4: {  	_ =	strace $0x9000004A  }
0xd5: {  	s0 =	stileid.u32;
	[bflag:$0x2] =	sbarrier.arrive $0xFFFF  }
0xd6: {  	p0 =	sne.s32 s0, $0x0;
	s0 =	rddreg [dreg:$0x4]  }
0xd7: {  	s0 =	sadd.s32 @!p0 $0x100000, s0  }
0xd8: {  	[sflag:s0] =	ssyncadd.tile.s32 @!p0 $0x1;
	_ =	shalt  }
.Lfunc_end2:
_tile_overlayer_lowered:
.L_overlay_start_2:
0xd9: {  	(tag) =	ssettag $0x2  }
0xda: {  	s0 =	rddreg [dreg:$0x0];
	s2 =	stileid.u32  }
0xdb: {  	s1 =	rddreg [dreg:$0x1];
	p0 =	sne.s32 s2, $0x0  }
0xdc: {  	s3 =	rddreg [dreg:$0x2];
	[bflag:$0x3] =	sbarrier.arrive $0xFFFF;
	s2 =	simm.s32 @!p0 $0x1C07  }
0xdd: {  	[timem:s3], [sflag:s2] =	dma.local @!p0 [hbm:s0], s1  }
0xde: {  	s0 =	simm.s32 @!p0 $0x7  }
0xdf: {  	_ =	swait.ge @!p0 [sflag:s0], s1  }
0xe0: {  	s1 =	ssub.s32 @!p0 $0x0, s1;
	[sflag:s0] =	ssyncset.done @!p0 $0x0  }
0xe1: {  	[sflag:s0] =	ssyncadd.s32 @!p0 s1  }
0xe2: {  	[bflag:$0x3] =	sbarrier.arrive $0xFFFF  }
0xe3: {  	_ =	shalt  }

// kernel: kernel.7.cloned.1.call-start
scs
__scs_entry_jumppad:
0x0: {  	(pc) =	sbr.rel $0x88, $3  }
0x1: {  	(tag) =	ssettag $0x0;
	lr =	simm.s32 $0x1  }
0x2: {  	[smem:$0x3F92] =	sst lr;
	_ =	strace $0xD0000000  }
0x3: {  	_ = 	snop  }
0x4: {  	_ = 	snop  }
0x5: {  	_ = 	snop  }
0x6: {  	_ = 	snop  }
0x7: {  	_ = 	snop  }
__scs_overlays_trampoline_lowered:
0x8: {  	[smem:$0x3FA1] =	sst s0  }
0x9: {  	[smem:$0x3FA2] =	sst s1  }
0xa: {  	[smem:$0x3FA3] =	sst s2  }
0xb: {  	[smem:$0x3FA4] =	sst s3  }
0xc: {  	[smem:$0x3FA5] =	sst s4  }
0xd: {  	[smem:$0x3FA6] =	sst s5  }
0xe: {  	[smem:$0x3FA7] =	sst s6  }
0xf: {  	[smem:$0x3FA8] =	sst s7  }
0x10: {  	[smem:$0x3FA9] =	sst s8  }
0x11: {  	[smem:$0x3FAA] =	sst s9;
	s0 =	simm.s32 @!p0 $0x0  }
0x12: {  	s1 =	sld [smem:$0x3F90];
	s0 =	simm.s32 @p0 $0x1  }
0x13: {  	[smem:$0x3FAB] =	sst s0;
	s0 =	simm.s32 @!p1 $0x0  }
0x14: {  	s2 =	sld [smem:$0x3F8F];
	s0 =	simm.s32 @p1 $0x1  }
0x15: {  	[smem:$0x3FAC] =	sst s0;
	s0 =	simm.s32 @!p2 $0x0  }
0x16: {  	s3 =	sld [smem:$0x3FDB];
	s0 =	simm.s32 @p2 $0x1  }
0x17: {  	s4 =	simm.s32 $0x1BF5;
	[smem:$0x3FAE] =	sst s0  }
0x18: {  	s0 =	sld [smem:$0x3F91];
	_ =	swait.ge [sflag:s4], $0x0  }
0x19: {  	s7 =	sld [smem:$0x3F92]  }
0x1a: {  	s8 =	sadd.s32 $0xFFFFE003, lr  }
0x1b: {  	s9 =	sadd.s32 $0xFFFFFEF7, lr;
	s5 =	simm.s32 $0xFFFFFFFF;
	p2 =	slt.u32 s8, $0xFFFFF086  }
0x1c: {  	p1 =	slt.u32 s9, $0xF7A;
	s5 =	simm.s32 @!p2 $0x0  }
0x1d: {  	s5 =	simm.s32 @p1 $0x1;
	p0 =	seq.s32 s7, s2  }
0x1e: {  	s7 =	smul.u32 @!p0 $0xF7A, s2;
	p2 =	seq.s32 @!p0 s5, $0x0  }
0x1f: {  	s9 =	smul.u32 $0xF7A, s1;
	s8 =	simm.s32 @!p0 $0x1BF5;
	p2 =	por !p2, p0  }
0x20: {  	[sflag:s8] =	ssyncset.s32 @!p0 $0xFFFFF086;
	s6 =	sadd.s32 @!p0 s3, s7;
	s7 =	simm.s32 @!p0 $0x108  }
0x21: {  	s3 =	sadd.s32 s3, s9;
	s6 =	sadd.s32 @!p0 $0x88, s6;
	s7 =	simm.s32 @p2 $0x1082  }
0x22: {  	[simem:s7], [sflag:s8] =	dma.local @!p0 [hbm:s6], $0xF7A  }
0x23: {  	s9 =	sor.u32 $0xD0000000, s2;
	s6 =	simm.s32 $0x108;
	_ =	swait.ge @!p0 [sflag:s8], $0x0  }
0x24: {  	s3 =	sadd.s32 $0x88, s3;
	s6 =	simm.s32 @!p1 $0x1082;
	[sflag:s4] =	ssyncset.s32 $0xFFFFF086  }
0x25: {  	[simem:s6], [sflag:s4] =	dma.local [hbm:s3], $0xF7A  }
0x26: {  	[smem:$0x3F92] =	sst s1;
	(tag) =	ssettag s2;
	_ =	strace s9  }
0x27: {  	s1 =	sld [smem:$0x3FA2]  }
0x28: {  	s2 =	sld [smem:$0x3FA3]  }
0x29: {  	s4 =	sld [smem:$0x3FA5]  }
0x2a: {  	p0 =	seq.s32 s5, $0x0;
	s5 =	sld [smem:$0x3FA6]  }
0x2b: {  	s6 =	sld [smem:$0x3FA7]  }
0x2c: {  	s7 =	sld [smem:$0x3FA8]  }
0x2d: {  	s3 =	simm.s32 $0x108;
	s8 =	sld [smem:$0x3FA9]  }
0x2e: {  	s3 =	simm.s32 @!p0 $0x1082;
	s9 =	sld [smem:$0x3FAA]  }
0x2f: {  	lr =	sadd.s32 s0, s3;
	s0 =	sld [smem:$0x3FA1]  }
0x30: {  	s3 =	sld [smem:$0x3FA4]  }
0x31: {  	[smem:$0x3FAD] =	sst s10  }
0x32: {  	s10 =	sld [smem:$0x3FAB];
	_ =	sdelay $0x3  }
0x33: {  	p0 =	seq.s32 s10, $0x1;
	s10 =	sld [smem:$0x3FAD];
	_ =	sdelay $0x3  }
0x34: {  	[smem:$0x3FAD] =	sst s10  }
0x35: {  	s10 =	sld [smem:$0x3FAC];
	_ =	sdelay $0x3  }
0x36: {  	p1 =	seq.s32 s10, $0x1;
	s10 =	sld [smem:$0x3FAD];
	_ =	sdelay $0x3  }
0x37: {  	[smem:$0x3FAD] =	sst s10  }
0x38: {  	s10 =	sld [smem:$0x3FAE]  }
0x39: {  	_ = 	snop;
	(pc) =	sbr.ind lr, $3  }
0x3a: {  	_ = 	snop  }
0x3b: {  	_ = 	snop  }
0x3c: {  	p2 =	seq.s32 s10, $0x1;
	s10 =	sld [smem:$0x3FAD]  }
0x3d: {  	_ =	shalt  }
0x3e: {  	_ =	shalt  }
0x3f: {  	_ =	shalt  }
0x40: {  	_ =	shalt  }
0x41: {  	_ =	shalt  }
0x42: {  	_ =	shalt  }
0x43: {  	_ =	shalt  }
0x44: {  	_ =	shalt  }
0x45: {  	_ =	shalt  }
0x46: {  	_ =	shalt  }
0x47: {  	_ =	shalt  }
0x48: {  	_ =	shalt  }
0x49: {  	_ =	shalt  }
0x4a: {  	_ =	shalt  }
0x4b: {  	_ =	shalt  }
0x4c: {  	_ =	shalt  }
0x4d: {  	_ =	shalt  }
0x4e: {  	_ =	shalt  }
0x4f: {  	_ =	shalt  }
0x50: {  	_ =	shalt  }
0x51: {  	_ =	shalt  }
0x52: {  	_ =	shalt  }
0x53: {  	_ =	shalt  }
0x54: {  	_ =	shalt  }
0x55: {  	_ =	shalt  }
0x56: {  	_ =	shalt  }
0x57: {  	_ =	shalt  }
0x58: {  	_ =	shalt  }
0x59: {  	_ =	shalt  }
0x5a: {  	_ =	shalt  }
0x5b: {  	_ =	shalt  }
0x5c: {  	_ =	shalt  }
0x5d: {  	_ =	shalt  }
0x5e: {  	_ =	shalt  }
0x5f: {  	_ =	shalt  }
0x60: {  	_ =	shalt  }
0x61: {  	_ =	shalt  }
0x62: {  	_ =	shalt  }
0x63: {  	_ =	shalt  }
0x64: {  	_ =	shalt  }
0x65: {  	_ =	shalt  }
0x66: {  	_ =	shalt  }
0x67: {  	_ =	shalt  }
0x68: {  	_ =	shalt  }
0x69: {  	_ =	shalt  }
0x6a: {  	_ =	shalt  }
0x6b: {  	_ =	shalt  }
0x6c: {  	_ =	shalt  }
0x6d: {  	_ =	shalt  }
0x6e: {  	_ =	shalt  }
0x6f: {  	_ =	shalt  }
0x70: {  	_ =	shalt  }
0x71: {  	_ =	shalt  }
0x72: {  	_ =	shalt  }
0x73: {  	_ =	shalt  }
0x74: {  	_ =	shalt  }
0x75: {  	_ =	shalt  }
0x76: {  	_ =	shalt  }
0x77: {  	_ =	shalt  }
0x78: {  	_ =	shalt  }
0x79: {  	_ =	shalt  }
0x7a: {  	_ =	shalt  }
0x7b: {  	_ =	shalt  }
0x7c: {  	_ =	shalt  }
0x7d: {  	_ =	shalt  }
0x7e: {  	_ =	shalt  }
0x7f: {  	_ =	shalt  }
0x80: {  	_ =	shalt  }
0x81: {  	_ =	shalt  }
0x82: {  	_ =	shalt  }
0x83: {  	_ =	shalt  }
0x84: {  	_ =	shalt  }
0x85: {  	_ =	shalt  }
0x86: {  	_ =	shalt  }
0x87: {  	_ =	shalt  }
.Lfunc_end0:
.L_simem_size_0:
called_computation_lowered:
.L_overlay_start_0:
0x88: {  	s2 =	sld [smem:$0x3FD9]  }
0x89: {  	s3 =	sld [smem:$0x3FFE];
	_ =	sdelay $0x1  }
0x8a: {  	s1 =	srdreg.scid  }
0x8b: {  	s0 =	sand.u32 $0x1, s1  }
0x8c: {  	s14 =	sshll.u32 s0, $0xA;
	s2 =	sadd.s32 s3, s2  }
0x8d: {  	s2 =	sadd.s32 s2, s14  }
0x8e: {  	[smem:$0x3FB9] =	sst s2  }
0x8f: {  	_ = 	snop  }
0x90: {  	s2 =	sld [smem:$0x3FD0];
	_ =	sdelay $0x2  }
0x91: {  	s15 =	simm.s32 $0xB;
	s4 =	simm.s32 $0x10  }
0x92: {  	[smem:s4], [sflag:s15] =	dma.local [hbm:s2], $0x1  }
0x93: {  	_ =	swait.eq [sflag:s15], $0x1  }
0x94: {  	[sflag:s15] =	ssyncset.done $0x0  }
0x95: {  	[sflag:s15] =	ssyncadd.s32 $0xFFFFFFFF  }
0x96: {  	s16 =	sld [smem:$0x12];
	(tm) =	ssettm $0x1  }
0x97: {  	s17 =	sld [smem:$0x3FFB];
	_ =	sdelay $0x3  }
0x98: {  	_ =	strace s17  }
0x99: {  	s3 =	sld [smem:$0x3FFC];
	_ =	sdelay $0x3  }
0x9a: {  	_ =	strace s3  }
0x9b: {  	s3 =	sld [smem:$0x3FFD];
	_ =	sdelay $0x3  }
0x9c: {  	_ =	strace s3  }
0x9d: {  	_ =	strace $0x8FFFFFFF  }
0x9e: {  	s18 =	sld [smem:$0x3FDB];
	_ =	sdelay $0x1  }
0x9f: {  	s19 =	simm.s32 $_scs_section_size  }
0xa0: {  	s5 =	simm.s32 $_size__tile_overlayer_lowered;
	s6 =	simm.s32 $_tile_overlayer_lowered  }
0xa1: {  	s22 =	simm.s32 $0x1BFF;
	s21 =	sshll.u32 s6, $0x1;
	s3 =	sadd.s32 s19, s18  }
0xa2: {  	s7 =	simm.s32 $0x0;
	s20 =	sshll.u32 s5, $0x1;
	s5 =	sadd.s32 s21, s3  }
0xa3: {  	[timem:s7], [sflag:s22] =	dma.local [hbm:s5], s20  }
0xa4: {  	_ =	swait.ge [sflag:s22], s20  }
0xa5: {  	s4 =	ssub.s32 $0x0, s20;
	[sflag:s22] =	ssyncset.done $0x0  }
0xa6: {  	[sflag:s22] =	ssyncadd.s32 s4;
	_ =	sdelay $0x1  }
0xa7: {  	s23 =	simm.s32 $0x1B8B  }
0xa8: {  	_ =	swait.ge [sflag:s23], $0x1  }
0xa9: {  	[sflag:s23] =	ssyncset.done $0x0  }
0xaa: {  	s25 =	simm.s32 $0x1B8E;
	s24 =	sld [smem:$0x3FFE];
	[sflag:s23] =	ssyncadd.s32 $0xFFFFFFFF  }
0xab: {  	s26 =	simm.s32 $execute0_lowered;
	[smem:$0x3FD2] =	sst s25  }
0xac: {  	s5 =	sshll.u32 s26, $0x1;
	_ =	strace $0x80000046;
	[dreg:$0x1] =	wrdreg $0xFFFFFFFF  }
0xad: {  	s28 =	simm.s32 $_size_execute0_lowered;
	s3 =	sadd.s32 s3, s5;
	[dreg:$0x0] =	wrdreg $0x0  }
0xae: {  	s5 =	sshll.u32 s28, $0x1;
	[dreg:$0x2] =	wrdreg s3  }
0xaf: {  	[dreg:$0x3] =	wrdreg s5  }
0xb0: {  	[dreg:$0x4] =	wrdreg $0xC0  }
0xb1: {  	_ =	task [dreg:s7], $0x5FFFF  }
0xb2: {  	[dreg:$0x1] =	wrdreg $0xFFFFFFFF  }
0xb3: {  	[dreg:$0x0] =	wrdreg $0x60  }
0xb4: {  	[dreg:$0x2] =	wrdreg s24  }
0xb5: {  	[dreg:$0x3] =	wrdreg s16  }
0xb6: {  	[dreg:$0x4] =	wrdreg $0x28800  }
0xb7: {  	[dreg:$0x5] =	wrdreg $0x9  }
0xb8: {  	_ =	task.clear_ibuf [dreg:s7], $0x6FFFF;
	_ =	strace $0x90000046  }
0xb9: {  	s29 =	simm.s32 $0x9;
	_ =	strace $0x80000048  }
0xba: {  	_ =	swait.ge [sflag:s29], $0x1  }
0xbb: {  	[sflag:s29] =	ssyncadd.s32 $0xFFFFFFFF  }
0xbc: {  	_ =	strace $0x90000048  }
0xbd: {  	_ =	sfence  }
0xbe: {  	s30 =	sld [smem:$0x0];
	_ =	sdelay $0x2  }
0xbf: {  	s31 =	sshll.u32 s1, $0xD;
	s1 =	sshrl.u32 s1, $0x2  }
0xc0: {  	s3 =	sand.u32 $0x4000, s31;
	s1 =	sadd.s32 s1, s30  }
0xc1: {  	s0 =	sor.u32 s3, s0;
	s1 =	sshll.u32 s1, $0x11  }
0xc2: {  	s0 =	sor.u32 s1, s0  }
0xc3: {  	s0 =	sadd.s32 $0x8F2B, s0  }
0xc4: {  	[sflag:s0] =	ssyncadd.remote.s32 $0x1  }
0xc5: {  	_ =	sfence.sel $0xFFFF  }
0xc6: {  	[dreg:$0x0] =	wrdreg $0xFFFFFFFF;
	(pc) =	sbr.abs _section_cstart, $3  }
0xc7: {  	[dreg:$0x1] =	wrdreg $0xFFFFFFFF  }
0xc8: {  	_ =	task.clear_ibuf [dreg:s7], $0x2FFFF;
	_ =	strace $0x9FFFFFFF  }
0xc9: {  	(tm) =	ssettm $0x7FFFFFFF  }
tec
execute0_lowered:
.L_overlay_start_1:
0x0: {  	(tag) =	ssettag $0x1  }
0x1: {  	s6 =	rddreg [dreg:$0x0]  }
0x2: {  	s2 =	rddreg [dreg:$0x1]  }
0x3: {  	s0 =	srdreg.scid;
	s3 =	rddreg [dreg:$0x2]  }
0x4: {  	s4 =	simm.s32 $0x0;
	s13 =	simm.s32 $0x80;
	s14 =	simm.s32 $0x1  }
0x5: {  	s15 =	simm.s32 $0x0;
	s5 =	sand.u32 $0x1, s0;
	s0 =	stileid.u32  }
0x6: {  	[smem:$0x7FF] =	sst s4;
	s1 =	sshll.u32 s5, $0x4;
	s8 =	smul.u32 $0x1400, s0  }
0x7: {  	s9 =	smul.u32 $0x14000, s5;
	s5 =	ssub.s32 $0x2, s5;
	s1 =	sor.u32 s0, s1  }
0x8: {  	s31 =	sshll.u32 s0, $0x6;
	s11 =	sshrl.u32 s5, $0x1;
	s7 =	smul.u32 $0x500, s1  }
0x9: {  	s1 =	rddreg [dreg:$0x3];
	_ =	strace $0x80000047;
	s10 =	sshrl.u32 s8, $0x3  }
0xa: {  	s9 =	sadd.s32 s8, s9;
	s11 =	ssub.s32 s5, s11;
	s12 =	sadd.s32 s8, s3  }
0xb: {  	s10 =	sadd.s32 s10, s6;
	s9 =	sshrl.u32 s9, $0x3;
	s7 =	sadd.s32 s7, s6  }
0xc: {  	s9 =	sadd.s32 s9, s6;
	s5 =	sadd.s32 $0x17200, s10;
	s6 =	sor.u32 $0x1C02, s31  }
0xd: {  	s10 =	sshrl.u32 s12, $0x3;
	s12 =	simm.s32 $0x2800;
	s7 =	sadd.s32 $0x3200, s7  }
0xe: {  	s8 =	sadd.s32 $0x19A00, s9;
	s9 =	smax.u32 s11, $0x1;
	s11 =	simm.s32 $0x2  }
.LBB2_1:
0xf: {  	[spmem:s10], [sflag:s6] =	dma.local [hbm:s5], $0x280  }
0x10: {  	_ =	swait.ge [sflag:s11], $0x280  }
0x11: {  	[sflag:s11] =	ssyncset.done $0x0  }
0x12: {  	[sflag:s11] =	ssyncadd.s32 $0xFFFFFD80  }
0x13: {  	[tilespmem:s12], [sflag:$0x2] =	stream.linear.gather [hbm4b:s2+s4], $0x80, $0x38;
	[tilespmem:$0x3C80] =	vst v63  }
0x14: {  	_ =	swait.ge [sflag:s11], $0x80  }
0x15: {  	[sflag:s11] =	ssyncset.done $0x0  }
0x16: {  	[sflag:s11] =	ssyncadd.s32 $0xFFFFFF80  }
0x17: {  	[tilespmem:s4], [sflag:$0x2] =	stream.linear.gather [hbm4b:s7+s4], $0x2800, $0x38;
	[tilespmem:$0x3C80] =	vst v63  }
0x18: {  	_ =	swait.ge [sflag:s11], $0x2800  }
0x19: {  	[sflag:s11] =	ssyncset.done $0x0  }
0x1a: {  	[sflag:s11] =	ssyncadd.s32 $0xFFFFD800  }
0x1b: {  	s16 =	simm.s32 $0x0;
	[bflag:$0x0] =	sbarrier.arrive $0xFFFF  }
0x1c: {  	[spmem:s3] =	stream.indirect.scatter.add.f32 [tilespmem:s12], [sflag:$0x1], $0x1, s16, s13, $0xb8;
	[tilespmem:$0x3C80] =	vst v63  }
0x1d: {  	s29 =	simm.s32 $0x80  }
0x1e: {  	[spmem:s3] =	stream.indirect.scatter.add.f32 [tilespmem:s12], [sflag:$0x1], $0x1, s29, s13, $0xb8;
	[tilespmem:$0x3C80] =	vst v63  }
0x1f: {  	s30 =	simm.s32 $0x100  }
0x20: {  	[spmem:s3] =	stream.indirect.scatter.add.f32 [tilespmem:s12], [sflag:$0x1], $0x1, s30, s13, $0xb8;
	[tilespmem:$0x3C80] =	vst v63  }
0x21: {  	s31 =	simm.s32 $0x180  }
0x22: {  	[spmem:s3] =	stream.indirect.scatter.add.f32 [tilespmem:s12], [sflag:$0x1], $0x1, s31, s13, $0xb8;
	[tilespmem:$0x3C80] =	vst v63  }
0x23: {  	_ =	swait.ge [sflag:s14], $0x80  }
0x24: {  	[sflag:s14] =	ssyncset.done $0x0  }
0x25: {  	[sflag:s14] =	ssyncadd.s32 $0xFFFFFF80  }
0x26: {  	_ =	swait.ge [sflag:s14], $0x80  }
0x27: {  	[sflag:s14] =	ssyncset.done $0x0  }
0x28: {  	[sflag:s14] =	ssyncadd.s32 $0xFFFFFF80  }
0x29: {  	_ =	swait.ge [sflag:s14], $0x80  }
0x2a: {  	[sflag:s14] =	ssyncset.done $0x0  }
0x2b: {  	[sflag:s14] =	ssyncadd.s32 $0xFFFFFF80  }
0x2c: {  	_ =	swait.ge [sflag:s14], $0x80  }
0x2d: {  	s17 =	simm.s32 $0x1000;
	s16 =	simm.s32 $0x800;
	[sflag:s14] =	ssyncset.done $0x0  }
.LBB2_2:
0x2e: {  	s18 =	sshra.s32 s16, $0x2  }
0x2f: {  	[sflag:s14] =	ssyncadd.s32 $0xFFFFFF80;
	s16 =	smov.u32 s17;
	s19 =	sadd.s32 $0x800, s17  }
0x30: {  	[spmem:s3] =	stream.indirect.scatter.add.f32 [tilespmem:s12], [sflag:$0x1], $0x1, s18, s13, $0xb8;
	[tilespmem:$0x3C80] =	vst v63  }
0x31: {  	p0 =	sne.s32 s17, $0x9800;
	s17 =	sadd.s32 $0x80, s18  }
0x32: {  	[spmem:s3] =	stream.indirect.scatter.add.f32 [tilespmem:s12], [sflag:$0x1], $0x1, s17, s13, $0xb8;
	[tilespmem:$0x3C80] =	vst v63  }
0x33: {  	s17 =	sadd.s32 $0x100, s18  }
0x34: {  	[spmem:s3] =	stream.indirect.scatter.add.f32 [tilespmem:s12], [sflag:$0x1], $0x1, s17, s13, $0xb8;
	[tilespmem:$0x3C80] =	vst v63  }
0x35: {  	s17 =	sadd.s32 $0x180, s18  }
0x36: {  	[spmem:s3] =	stream.indirect.scatter.add.f32 [tilespmem:s12], [sflag:$0x1], $0x1, s17, s13, $0xb8;
	[tilespmem:$0x3C80] =	vst v63  }
0x37: {  	_ =	swait.ge [sflag:s14], $0x80  }
0x38: {  	[sflag:s14] =	ssyncset.done $0x0  }
0x39: {  	[sflag:s14] =	ssyncadd.s32 $0xFFFFFF80  }
0x3a: {  	_ =	swait.ge [sflag:s14], $0x80  }
0x3b: {  	[sflag:s14] =	ssyncset.done $0x0  }
0x3c: {  	[sflag:s14] =	ssyncadd.s32 $0xFFFFFF80  }
.Ltmp0:
0x3d: {  	_ =	swait.ge [sflag:s14], $0x80;
	(pc) =	sbr.rel @p0 .LBB2_2-.Ltmp0, $4  }
0x3e: {  	[sflag:s14] =	ssyncset.done $0x0  }
0x3f: {  	[sflag:s14] =	ssyncadd.s32 $0xFFFFFF80  }
0x40: {  	_ =	swait.ge [sflag:s14], $0x80  }
0x41: {  	s17 =	smov.u32 s19;
	[sflag:s14] =	ssyncset.done $0x0  }
0x42: {  	s16 =	sshra.s32 s16, $0x2;
	[sflag:s14] =	ssyncadd.s32 $0xFFFFFF80  }
0x43: {  	[spmem:s3] =	stream.indirect.scatter.add.f32 [tilespmem:s12], [sflag:$0x1], $0x1, s16, s13, $0xb8;
	[tilespmem:$0x3C80] =	vst v63  }
0x44: {  	s17 =	sadd.s32 $0x80, s16  }
0x45: {  	[spmem:s3] =	stream.indirect.scatter.add.f32 [tilespmem:s12], [sflag:$0x1], $0x1, s17, s13, $0xb8;
	[tilespmem:$0x3C80] =	vst v63  }
0x46: {  	s31 =	sadd.s32 $0x100, s16  }
0x47: {  	[spmem:s3] =	stream.indirect.scatter.add.f32 [tilespmem:s12], [sflag:$0x1], $0x1, s31, s13, $0xb8;
	[tilespmem:$0x3C80] =	vst v63  }
0x48: {  	s16 =	sadd.s32 $0x180, s16  }
0x49: {  	[spmem:s3] =	stream.indirect.scatter.add.f32 [tilespmem:s12], [sflag:$0x1], $0x1, s16, s13, $0xb8;
	[tilespmem:$0x3C80] =	vst v63  }
0x4a: {  	_ =	swait.ge [sflag:s14], $0x80  }
0x4b: {  	[sflag:s14] =	ssyncset.done $0x0  }
0x4c: {  	[sflag:s14] =	ssyncadd.s32 $0xFFFFFF80  }
0x4d: {  	_ =	swait.ge [sflag:s14], $0x80  }
0x4e: {  	[sflag:s14] =	ssyncset.done $0x0  }
0x4f: {  	[sflag:s14] =	ssyncadd.s32 $0xFFFFFF80  }
0x50: {  	_ =	swait.ge [sflag:s14], $0x80  }
0x51: {  	[sflag:s14] =	ssyncset.done $0x0  }
0x52: {  	[sflag:s14] =	ssyncadd.s32 $0xFFFFFF80  }
0x53: {  	_ =	swait.ge [sflag:s14], $0x80  }
0x54: {  	s15 =	sadd.s32 $0x1, s15;
	[sflag:s14] =	ssyncset.done $0x0  }
0x55: {  	p0 =	sne.s32 s15, s9;
	[sflag:s14] =	ssyncadd.s32 $0xFFFFFF80  }
.Ltmp1:
0x56: {  	[bflag:$0x0] =	sbarrier.arrive $0xFFFF;
	(pc) =	sbr.rel @p0 .LBB2_1-.Ltmp1, $4  }
0x57: {  	[hbm:s8], [sflag:s6] =	dma.local [spmem:s10], $0x280  }
0x58: {  	_ =	swait.ge [sflag:s11], $0x280  }
0x59: {  	[sflag:s11] =	ssyncset.done $0x0  }
0x5a: {  	[sflag:s11] =	ssyncadd.s32 $0xFFFFFD80  }
0x5b: {  	_ =	sfence.sel $0x180000  }
0x5c: {  	[bflag:$0x0] =	sbarrier.arrive $0xFFFF  }
0x5d: {  	p0 =	sne.s32 s0, $0x0;
	_ =	strace $0x90000047  }
0x5e: {  	s0 =	sadd.s32 @!p0 $0x100000, s1;
	[bflag:$0x2] =	sbarrier.arrive $0xFFFF  }
0x5f: {  	[sflag:s0] =	ssyncadd.tile.s32 @!p0 $0x1;
	_ =	shalt  }
.Lfunc_end2:
_tile_overlayer_lowered:
.L_overlay_start_2:
0x60: {  	(tag) =	ssettag $0x2  }
0x61: {  	s0 =	rddreg [dreg:$0x0];
	s2 =	stileid.u32  }
0x62: {  	s1 =	rddreg [dreg:$0x1];
	p0 =	sne.s32 s2, $0x0  }
0x63: {  	s3 =	rddreg [dreg:$0x2];
	[bflag:$0x3] =	sbarrier.arrive $0xFFFF;
	s2 =	simm.s32 @!p0 $0x1C02  }
0x64: {  	[timem:s3], [sflag:s2] =	dma.local @!p0 [hbm:s0], s1  }
0x65: {  	s0 =	simm.s32 @!p0 $0x2  }
0x66: {  	_ =	swait.ge @!p0 [sflag:s0], s1  }
0x67: {  	s1 =	ssub.s32 @!p0 $0x0, s1;
	[sflag:s0] =	ssyncset.done @!p0 $0x0  }
0x68: {  	[sflag:s0] =	ssyncadd.s32 @!p0 s1  }
0x69: {  	[bflag:$0x3] =	sbarrier.arrive $0xFFFF  }
0x6a: {  	_ =	shalt  }

</sc_bundles>
